<compile_context>
chip_gen: v7x
topology: tpu7x:2x2x1
jax: 0.10.2.dev20260603
libtpu: 0.0.44.dev20260713+nightly
codegen_flags: <defaults>
</compile_context>

<pallas_src>
import functools

import jax
import jax.numpy as jnp
from jax import lax
from jax.experimental import pallas as pl
from jax.experimental.pallas import tpu as pltpu
from jax.experimental.pallas import tpu_sc as plsc

B = 8
N = 4096
NPOINT = 1024
NSAMPLE = 32
CIN = 128
EPS = 1e-5
BIGF = 1e10
CT = 256
TM = 8192
PN = B * NPOINT * NSAMPLE
NW = 32
PERW = PN // NW
CH = 128



def _fps_body(xyz_ref, idx_ref, nxyz_ref):
    xs = xyz_ref[0]
    ys = xyz_ref[1]
    zs = xyz_ref[2]
    iota = jax.lax.broadcasted_iota(jnp.int32, (B, N), 1)
    row_iota = jax.lax.broadcasted_iota(jnp.int32, (B, NPOINT), 0)
    iota_np = jax.lax.broadcasted_iota(jnp.int32, (B, NPOINT), 1)

    def body(i, carry):
        dist, far, oidx, ox, oy, oz = carry
        oh = iota == far
        cx = jnp.sum(jnp.where(oh, xs, 0.0), axis=1, keepdims=True)
        cy = jnp.sum(jnp.where(oh, ys, 0.0), axis=1, keepdims=True)
        cz = jnp.sum(jnp.where(oh, zs, 0.0), axis=1, keepdims=True)
        sel = (iota_np == i) & (row_iota >= 0)
        oidx = oidx + jnp.where(sel, jnp.broadcast_to(far, (B, NPOINT)), 0)
        ox = ox + jnp.where(sel, jnp.broadcast_to(cx, (B, NPOINT)), 0.0)
        oy = oy + jnp.where(sel, jnp.broadcast_to(cy, (B, NPOINT)), 0.0)
        oz = oz + jnp.where(sel, jnp.broadcast_to(cz, (B, NPOINT)), 0.0)
        d = (xs - cx) ** 2 + (ys - cy) ** 2 + (zs - cz) ** 2
        dist = jnp.minimum(dist, d)
        m = jnp.max(dist, axis=1, keepdims=True)
        far2 = jnp.min(jnp.where(dist == m, iota, N), axis=1,
                       keepdims=True).astype(jnp.int32)
        return dist, far2, oidx, ox, oy, oz

    dist0 = jnp.full((B, N), BIGF, jnp.float32)
    far0 = jnp.zeros((B, 1), jnp.int32)
    zf = jnp.zeros((B, NPOINT), jnp.float32)
    zi = jnp.zeros((B, NPOINT), jnp.int32)
    _, _, oidx, ox, oy, oz = jax.lax.fori_loop(
        0, NPOINT, body, (dist0, far0, zi, zf, zf, zf))
    idx_ref[...] = oidx
    nxyz_ref[:, 0, :] = ox
    nxyz_ref[:, 1, :] = oy
    nxyz_ref[:, 2, :] = oz


def _fps(xyz_t):
    return pl.pallas_call(
        _fps_body,
        out_shape=[
            jax.ShapeDtypeStruct((B, NPOINT), jnp.int32),
            jax.ShapeDtypeStruct((B, 3, NPOINT), jnp.float32),
        ],
    )(xyz_t)



def _knn_body(xyz_ref, nxyz_ref, idx_ref, d_scr, i_scr):
    xmat = xyz_ref[0]
    cmat = nxyz_ref[0]
    mm = jnp.dot(xmat, cmat, preferred_element_type=jnp.float32)
    d = -2.0 * mm
    d = d + jnp.sum(xmat * xmat, axis=1, keepdims=True)
    d = d + jnp.sum(cmat * cmat, axis=0, keepdims=True)
    d_scr[...] = d
    iota = jax.lax.broadcasted_iota(jnp.int32, (N, CT), 0)

    def ext(k, carry):
        mprev, aprev = carry
        dv = d_scr[...]
        valid = (dv > mprev) | ((dv == mprev) & (iota > aprev))
        dm = jnp.where(valid, dv, BIGF)
        m = jnp.min(dm, axis=0, keepdims=True)
        am = jnp.min(jnp.where(dm == m, iota, N), axis=0,
                     keepdims=True).astype(jnp.int32)
        i_scr[pl.ds(k, 1), :] = am
        return m, am

    jax.lax.fori_loop(
        0, NSAMPLE, ext,
        (jnp.full((1, CT), -BIGF, jnp.float32),
         jnp.full((1, CT), -1, jnp.int32)))
    off = pl.program_id(0) * N
    idx_ref[0] = jnp.transpose(i_scr[...], (1, 0)) + off


def _knn(xyz, nxyz_b):
    return pl.pallas_call(
        _knn_body,
        grid=(B, NPOINT // CT),
        in_specs=[
            pl.BlockSpec((1, N, 3), lambda b, t: (b, 0, 0)),
            pl.BlockSpec((1, 3, CT), lambda b, t: (b, 0, t)),
        ],
        out_specs=pl.BlockSpec((1, CT, NSAMPLE), lambda b, t: (b, t, 0)),
        out_shape=jax.ShapeDtypeStruct((B, NPOINT, NSAMPLE), jnp.int32),
        scratch_shapes=[pltpu.VMEM((N, CT), jnp.float32),
                        pltpu.VMEM((NSAMPLE, CT), jnp.int32)],
    )(xyz, nxyz_b)



def _h_body(f_ref, x_ref, wf_ref, wx_ref, h_ref):
    f = f_ref[0]
    h = jax.lax.dot_general(
        f, wf_ref[...], (((0,), (0,)), ((), ())),
        preferred_element_type=jnp.float32)
    h = h + jnp.dot(x_ref[0], wx_ref[...],
                    preferred_element_type=jnp.float32)
    h_ref[0] = h


def _h_transform(features, xyz, w0ft, w0xt):
    return pl.pallas_call(
        _h_body,
        grid=(B, N // 512),
        in_specs=[
            pl.BlockSpec((1, CIN, 512), lambda b, t: (b, 0, t)),
            pl.BlockSpec((1, 512, 3), lambda b, t: (b, t, 0)),
            pl.BlockSpec((CIN, CIN), lambda b, t: (0, 0)),
            pl.BlockSpec((3, CIN), lambda b, t: (0, 0)),
        ],
        out_specs=pl.BlockSpec((1, 512, CIN), lambda b, t: (b, t, 0)),
        out_shape=jax.ShapeDtypeStruct((B, N, CIN), jnp.float32),
    )(features, xyz, w0ft, w0xt)



def _gather_sc(idx_flat, htab):
    mesh = plsc.VectorSubcoreMesh(core_axis_name="c", subcore_axis_name="s")

    nbuf = 4

    @functools.partial(
        pl.kernel, mesh=mesh,
        out_type=jax.ShapeDtypeStruct((PN, CIN), jnp.float32),
        scratch_types=(
            [pltpu.VMEM((PERW,), jnp.int32)]
            + [pltpu.VMEM((CH, CIN), jnp.float32)] * nbuf
            + [pltpu.SemaphoreType.DMA] * (2 * nbuf)
        ),
    )
    def k(idx_hbm, h_hbm, out_hbm, idxb, *bufs):
        grows = bufs[:nbuf]
        gsems = bufs[nbuf:2 * nbuf]
        wsems = bufs[2 * nbuf:]
        wid = lax.axis_index("s") * 2 + lax.axis_index("c")
        base = wid * PERW
        pltpu.sync_copy(idx_hbm.at[pl.ds(base, PERW)], idxb)

        def gth(q, _):
            offs = [pl.multiple_of((q * nbuf + i) * CH, CH)
                    for i in range(nbuf)]
            cps = [pltpu.async_copy(h_hbm.at[idxb.at[pl.ds(offs[i], CH)]],
                                    grows[i], gsems[i])
                   for i in range(nbuf)]
            wps = []
            for i in range(nbuf):
                cps[i].wait()
                wps.append(pltpu.async_copy(
                    grows[i], out_hbm.at[pl.ds(base + offs[i], CH)],
                    wsems[i]))
            for w in wps:
                w.wait()
            return 0

        jax.lax.fori_loop(0, PERW // CH // nbuf, gth, 0)

    return k(idx_flat, htab)



def _acc_stats(y, s_ref, q_ref):
    ps = jnp.sum(y, axis=0, keepdims=True)
    pq = jnp.sum(y * y, axis=0, keepdims=True)

    @pl.when(pl.program_id(0) == 0)
    def _():
        s_ref[...] = ps
        q_ref[...] = pq

    @pl.when(pl.program_id(0) != 0)
    def _():
        s_ref[...] = s_ref[...] + ps
        q_ref[...] = q_ref[...] + pq


def _mlp0_body(hg_ref, c_ref, wx_ref, b_ref, y_ref, s_ref, q_ref):
    cp = jnp.dot(c_ref[...], wx_ref[...],
                 preferred_element_type=jnp.float32)
    crep = jnp.broadcast_to(cp[:, None, :],
                            (TM // NSAMPLE, NSAMPLE, cp.shape[-1]))
    crep = crep.reshape(TM, cp.shape[-1])
    y = hg_ref[...] - crep
    y = y + b_ref[...]
    y_ref[...] = y
    _acc_stats(y, s_ref, q_ref)


def _norm_relu(y, s_ref, q_ref, g_ref, be_ref):
    mean = s_ref[...] / PN
    var = q_ref[...] / PN - mean * mean
    xn = (y - mean) / jnp.sqrt(var + EPS) * g_ref[...] + be_ref[...]
    return jnp.maximum(xn, 0.0)


def _mlp_mid_body(y0_ref, s0_ref, q0_ref, g_ref, be_ref, w_ref, b_ref,
                  y_ref, s_ref, q_ref):
    x = _norm_relu(y0_ref[...], s0_ref, q0_ref, g_ref, be_ref)
    y = jnp.dot(x, w_ref[...], preferred_element_type=jnp.float32) + b_ref[...]
    y_ref[...] = y
    _acc_stats(y, s_ref, q_ref)


def _mlp2_body(y1_ref, s1_ref, q1_ref, g_ref, be_ref, w_ref, b_ref,
               ymx_ref, ymn_ref, s_ref, q_ref):
    x = _norm_relu(y1_ref[...], s1_ref, q1_ref, g_ref, be_ref)
    y = jnp.dot(x, w_ref[...], preferred_element_type=jnp.float32) + b_ref[...]
    _acc_stats(y, s_ref, q_ref)
    yr = y.reshape(TM // NSAMPLE, NSAMPLE, y.shape[-1])
    ymx_ref[...] = jnp.max(yr, axis=1)
    ymn_ref[...] = jnp.min(yr, axis=1)


def _fin_body(ymx_ref, ymn_ref, s_ref, q_ref, g_ref, be_ref, o_ref):
    mean = s_ref[...] / PN
    var = q_ref[...] / PN - mean * mean
    g = g_ref[...]
    ysel = jnp.where(g >= 0, ymx_ref[...], ymn_ref[...])
    xn = (ysel - mean) / jnp.sqrt(var + EPS) * g + be_ref[...]
    o_ref[...] = jnp.maximum(xn, 0.0)


def _row_spec(c):
    return pl.BlockSpec((TM, c), lambda s: (s, 0))


def _full_spec(shape):
    return pl.BlockSpec(shape, lambda s: tuple(0 for _ in shape))


def _mlp(hg, cpad, params):
    (w0, b0, g0, be0), (w1, b1, g1, be1), (w2, b2, g2, be2) = params
    steps = PN // TM
    c1, c2 = 128, 256
    w0xp = jnp.zeros((8, c1), jnp.float32).at[:3, :].set(w0[:, :3].T)
    w1t = jnp.transpose(w1)
    w2t = jnp.transpose(w2)
    r = lambda v: v.reshape(1, -1)

    y0, s0, q0 = pl.pallas_call(
        _mlp0_body,
        grid=(steps,),
        in_specs=[
            _row_spec(CIN),
            pl.BlockSpec((TM // NSAMPLE, 8), lambda s: (s, 0)),
            _full_spec((8, c1)), _full_spec((1, c1)),
        ],
        out_specs=[
            _row_spec(c1),
            pl.BlockSpec((1, c1), lambda s: (0, 0)),
            pl.BlockSpec((1, c1), lambda s: (0, 0)),
        ],
        out_shape=[
            jax.ShapeDtypeStruct((PN, c1), jnp.float32),
            jax.ShapeDtypeStruct((1, c1), jnp.float32),
            jax.ShapeDtypeStruct((1, c1), jnp.float32),
        ],
    )(hg, cpad, w0xp, r(b0))

    def mid(y, s, q, g, be, wt, b, cout):
        return pl.pallas_call(
            _mlp_mid_body,
            grid=(steps,),
            in_specs=[
                _row_spec(y.shape[-1]),
                _full_spec((1, y.shape[-1])), _full_spec((1, y.shape[-1])),
                _full_spec((1, y.shape[-1])), _full_spec((1, y.shape[-1])),
                _full_spec((y.shape[-1], cout)), _full_spec((1, cout)),
            ],
            out_specs=[
                _row_spec(cout),
                pl.BlockSpec((1, cout), lambda s: (0, 0)),
                pl.BlockSpec((1, cout), lambda s: (0, 0)),
            ],
            out_shape=[
                jax.ShapeDtypeStruct((PN, cout), jnp.float32),
                jax.ShapeDtypeStruct((1, cout), jnp.float32),
                jax.ShapeDtypeStruct((1, cout), jnp.float32),
            ],
        )(y, s, q, r(g), r(be), wt, b)

    y1, s1, q1 = mid(y0, s0, q0, g0, be0, w1t, r(b1), c1)

    grp = TM // NSAMPLE
    ymx, ymn, s2, q2 = pl.pallas_call(
        _mlp2_body,
        grid=(steps,),
        in_specs=[
            _row_spec(c1),
            _full_spec((1, c1)), _full_spec((1, c1)),
            _full_spec((1, c1)), _full_spec((1, c1)),
            _full_spec((c1, c2)), _full_spec((1, c2)),
        ],
        out_specs=[
            pl.BlockSpec((grp, c2), lambda s: (s, 0)),
            pl.BlockSpec((grp, c2), lambda s: (s, 0)),
            pl.BlockSpec((1, c2), lambda s: (0, 0)),
            pl.BlockSpec((1, c2), lambda s: (0, 0)),
        ],
        out_shape=[
            jax.ShapeDtypeStruct((B * NPOINT, c2), jnp.float32),
            jax.ShapeDtypeStruct((B * NPOINT, c2), jnp.float32),
            jax.ShapeDtypeStruct((1, c2), jnp.float32),
            jax.ShapeDtypeStruct((1, c2), jnp.float32),
        ],
    )(y1, s1, q1, r(g1), r(be1), w2t, r(b2))

    FT = 2048
    out = pl.pallas_call(
        _fin_body,
        grid=(B * NPOINT // FT,),
        in_specs=[
            pl.BlockSpec((FT, c2), lambda s: (s, 0)),
            pl.BlockSpec((FT, c2), lambda s: (s, 0)),
            _full_spec((1, c2)), _full_spec((1, c2)),
            _full_spec((1, c2)), _full_spec((1, c2)),
        ],
        out_specs=pl.BlockSpec((FT, c2), lambda s: (s, 0)),
        out_shape=jax.ShapeDtypeStruct((B * NPOINT, c2), jnp.float32),
    )(ymx, ymn, s2, q2, r(g2), r(be2))
    return out



def kernel(xyz, features, W0, b0, g0, be0, W1, b1, g1, be1, W2, b2, g2, be2):
    xyz_t = jnp.transpose(xyz, (2, 0, 1))
    _, nxyz_b = _fps(xyz_t)
    new_xyz = jnp.transpose(nxyz_b, (0, 2, 1))

    htab = _h_transform(features, xyz, jnp.transpose(W0[:, 3:]),
                        jnp.transpose(W0[:, :3])).reshape(B * N, CIN)

    idx = _knn(xyz, nxyz_b)
    hg = _gather_sc(idx.reshape(PN), htab)

    cpad = jnp.pad(new_xyz, ((0, 0), (0, 0), (0, 5))).reshape(B * NPOINT, 8)
    params = [(W0, b0, g0, be0), (W1, b1, g1, be1), (W2, b2, g2, be2)]
    outf = _mlp(hg, cpad, params)
    new_features = jnp.transpose(outf.reshape(B, NPOINT, 256), (0, 2, 1))
    return new_xyz, new_features

# --- scband reference (transcript-rebuilt; emitter-appended) ---
"""Pipeline reference for scband-set-abstraction-85993835200541 (READ-ONLY COPY).

The authoritative reference and input builder live on the scoring server;
editing this copy changes nothing except your own understanding.
"""

import jax, jax.numpy as jnp
import numpy as np

NPOINT = 1024
NSAMPLE = 32
EPS = 1e-5


def farthest_point_sample(xyz, npoint):
    B, N, _ = xyz.shape
    def body(i, state):
        centroids, distance, farthest = state
        centroids = centroids.at[:, i].set(farthest)
        centroid_xyz = jnp.take_along_axis(xyz, farthest[:, None, None], axis=1)
        dist = jnp.sum((xyz - centroid_xyz) ** 2, axis=-1)
        distance = jnp.minimum(distance, dist)
        farthest = jnp.argmax(distance, axis=-1).astype(jnp.int32)
        return centroids, distance, farthest
    centroids = jnp.zeros((B, npoint), dtype=jnp.int32)
    distance = jnp.full((B, N), 1e10, dtype=xyz.dtype)
    farthest = jnp.zeros((B,), dtype=jnp.int32)
    centroids, _, _ = jax.lax.fori_loop(0, npoint, body, (centroids, distance, farthest))
    return centroids


def index_points(points, idx):
    # points (B, N, C), idx (B, ...) -> (B, ..., C)
    B = points.shape[0]
    out_shape = idx.shape + (points.shape[-1],)
    idx_flat = idx.reshape(B, -1)
    g = jnp.take_along_axis(points, idx_flat[..., None], axis=1)
    return g.reshape(out_shape)


def square_distance(src, dst):
    dist = -2.0 * jnp.matmul(src, jnp.swapaxes(dst, 1, 2))
    dist = dist + jnp.sum(src ** 2, axis=-1, keepdims=True)
    dist = dist + jnp.sum(dst ** 2, axis=-1)[:, None, :]
    return dist


def conv_bn_relu(x, W, b, gamma, beta):
    # Conv1d kernel=1 is a matmul over channels; BN in training mode (batch stats)
    y = jnp.einsum('oi,bip->bop', W, x) + b[None, :, None]
    mean = jnp.mean(y, axis=(0, 2), keepdims=True)
    var = jnp.var(y, axis=(0, 2), keepdims=True)
    y = (y - mean) / jnp.sqrt(var + EPS)
    y = y * gamma[None, :, None] + beta[None, :, None]
    return jax.nn.relu(y)


def setup_inputs(seed: int = 0) -> dict:
    key = jax.random.key(seed)
    ks = jax.random.split(key, 16)
    xyz = jax.random.normal(ks[0], (8, 4096, 3), dtype=jnp.float32)
    features = jax.random.normal(ks[1], (8, 128, 4096), dtype=jnp.float32)
    inp = {"xyz": xyz, "features": features}
    dims = [(128, 131), (128, 128), (256, 128)]
    for i, (o, ci) in enumerate(dims):
        inp[f"W{i}"] = jax.random.normal(ks[2 + 4 * i], (o, ci), dtype=jnp.float32) * (1.0 / np.sqrt(ci))
        inp[f"b{i}"] = jnp.zeros((o,), dtype=jnp.float32)
        inp[f"g{i}"] = jnp.ones((o,), dtype=jnp.float32)
        inp[f"be{i}"] = jnp.zeros((o,), dtype=jnp.float32)
    return inp


def _forward(xyz, features, params):
    B = xyz.shape[0]
    # FPS indices: integer indices, no grad flows through selection (torch semantics)
    fps_idx = farthest_point_sample(jax.lax.stop_gradient(xyz), NPOINT)
    new_xyz = index_points(xyz, fps_idx)
    # query_ball_point (topk-smallest KNN grouping as in reference)
    sqrdist = square_distance(jax.lax.stop_gradient(xyz), jax.lax.stop_gradient(new_xyz))
    _, idx = jax.lax.top_k(-jnp.swapaxes(sqrdist, 1, 2), NSAMPLE)  # (B, npoint, nsample)
    grouped_xyz = index_points(xyz, idx) - new_xyz[:, :, None, :]
    grouped_feat = index_points(jnp.swapaxes(features, 1, 2), idx)
    grouped = jnp.concatenate([grouped_xyz, grouped_feat], axis=-1)  # (B, npoint, nsample, 3+C)
    x = jnp.transpose(grouped, (0, 3, 1, 2)).reshape(B, -1, NPOINT * NSAMPLE)
    for (W, b, g, be) in params:
        x = conv_bn_relu(x, W, b, g, be)
    new_features = jnp.max(x.reshape(B, -1, NPOINT, NSAMPLE), axis=-1)
    return new_xyz, new_features


def reference(xyz, features, W0, b0, g0, be0, W1, b1, g1, be1, W2, b2, g2, be2):
    params = [(W0, b0, g0, be0), (W1, b1, g1, be1), (W2, b2, g2, be2)]
    return _forward(xyz, features, params)

if __name__ == "__main__":
    import jax
    _d = setup_inputs()
    print(jax.jit(kernel)(*tuple(_d.values())))

</pallas_src>

<mosaic_0001>
#map = affine_map<(d0, d1) -> (0)>
#map1 = affine_map<(d0, d1) -> (0, 0)>
module attributes {stable_mosaic.version = 14 : i64} {
  func.func @k(%arg0: i32, %arg1: i32, %arg2: memref<262144xi32, #tpu.memory_space<hbm>>, %arg3: memref<32768x128xf32, #tpu.memory_space<hbm>>, %arg4: memref<262144x128xf32, #tpu.memory_space<hbm>>, %arg5: memref<8192xi32, #tpu.memory_space<vmem>>, %arg6: memref<128x128xf32, #tpu.memory_space<vmem>>, %arg7: memref<128x128xf32, #tpu.memory_space<vmem>>, %arg8: memref<128x128xf32, #tpu.memory_space<vmem>>, %arg9: memref<128x128xf32, #tpu.memory_space<vmem>>, %arg10: memref<!tpu.dma_semaphore, #tpu.memory_space<semaphore_mem>>, %arg11: memref<!tpu.dma_semaphore, #tpu.memory_space<semaphore_mem>>, %arg12: memref<!tpu.dma_semaphore, #tpu.memory_space<semaphore_mem>>, %arg13: memref<!tpu.dma_semaphore, #tpu.memory_space<semaphore_mem>>, %arg14: memref<!tpu.dma_semaphore, #tpu.memory_space<semaphore_mem>>, %arg15: memref<!tpu.dma_semaphore, #tpu.memory_space<semaphore_mem>>, %arg16: memref<!tpu.dma_semaphore, #tpu.memory_space<semaphore_mem>>, %arg17: memref<!tpu.dma_semaphore, #tpu.memory_space<semaphore_mem>>) attributes {dimension_semantics = [#tpu.dimension_semantics<core_parallel>, #tpu.dimension_semantics<subcore_parallel>], iteration_bounds = array<i64: 2, 16>, scalar_prefetch = 0 : i64, scratch_operands = 13 : i64, tpu.core_type = #tpu.core_type<sc_vector_subcore>, window_params = [{transform_indices = #map}, {transform_indices = #map1}, {transform_indices = #map1}]} {
    %mul3A = arith.constant 2 : i32
    %mul3A_0 = arith.muli %arg1, %mul3A : i32
    %add3A = arith.addi %mul3A_0, %arg0 : i32
    %mul3A_1 = arith.constant 8192 : i32
    %mul3A_2 = arith.muli %add3A, %mul3A_1 : i32
    "tpu.region"() ({
      %run_scoped3A = tpu.sem_alloc : memref<!tpu.dma_semaphore, #tpu.memory_space<semaphore_mem>>
      %dma_start3A = tpu.memref_slice %arg2[%mul3A_2] : memref<262144xi32, #tpu.memory_space<hbm>> -> memref<8192xi32, #tpu.memory_space<hbm>>
      %dma_start3A_9 = tpu.memref_slice %arg2[%mul3A_2] : memref<262144xi32, #tpu.memory_space<hbm>> -> memref<8192xi32, #tpu.memory_space<hbm>>
      tpu.enqueue_dma source(%dma_start3A_9 : memref<8192xi32, #tpu.memory_space<hbm>>) target(%arg5 : memref<8192xi32, #tpu.memory_space<vmem>>) target_semaphore(%run_scoped3A : memref<!tpu.dma_semaphore, #tpu.memory_space<semaphore_mem>>)
      %dma_wait3A = tpu.memref_slice %arg2[%mul3A_2] : memref<262144xi32, #tpu.memory_space<hbm>> -> memref<8192xi32, #tpu.memory_space<hbm>>
      %dma_wait3A_10 = tpu.memref_slice %arg2[%mul3A_2] : memref<262144xi32, #tpu.memory_space<hbm>> -> memref<8192xi32, #tpu.memory_space<hbm>>
      tpu.wait_dma2 semaphore(%run_scoped3A : memref<!tpu.dma_semaphore, #tpu.memory_space<semaphore_mem>>) src(%dma_wait3A_10 : memref<8192xi32, #tpu.memory_space<hbm>>) dst(%arg5 : memref<8192xi32, #tpu.memory_space<vmem>>)
      tpu.yield
    }) : () -> ()
    %scan3A = arith.constant 0 : i32
    %scan3A_3 = arith.constant 0 : i32
    %scan3A_4 = arith.constant 16 : i32
    %scan3A_5 = arith.addi %scan3A_3, %scan3A_4 : i32
    %scan3A_6 = arith.constant 1 : i32
    %scan3A_7 = scf.for %scan3A_9 = %scan3A_3 to %scan3A_5 step %scan3A_6 iter_args(%scan3A_10 = %scan3A) -> (i32)  : i32 {
      %mul3A_11 = arith.constant 4 : i32
      %mul3A_12 = arith.muli %scan3A_9, %mul3A_11 : i32
      %add3A_13 = arith.constant 0 : i32
      %add3A_14 = arith.addi %mul3A_12, %add3A_13 : i32
      %mul3A_15 = arith.constant 128 : i32
      %mul3A_16 = arith.muli %add3A_14, %mul3A_15 : i32
      %multiple_of3A = tpu.assume_multiple %mul3A_16, 128 : i32
      %mul3A_17 = arith.constant 4 : i32
      %mul3A_18 = arith.muli %scan3A_9, %mul3A_17 : i32
      %add3A_19 = arith.constant 1 : i32
      %add3A_20 = arith.addi %mul3A_18, %add3A_19 : i32
      %mul3A_21 = arith.constant 128 : i32
      %mul3A_22 = arith.muli %add3A_20, %mul3A_21 : i32
      %multiple_of3A_23 = tpu.assume_multiple %mul3A_22, 128 : i32
      %mul3A_24 = arith.constant 4 : i32
      %mul3A_25 = arith.muli %scan3A_9, %mul3A_24 : i32
      %add3A_26 = arith.constant 2 : i32
      %add3A_27 = arith.addi %mul3A_25, %add3A_26 : i32
      %mul3A_28 = arith.constant 128 : i32
      %mul3A_29 = arith.muli %add3A_27, %mul3A_28 : i32
      %multiple_of3A_30 = tpu.assume_multiple %mul3A_29, 128 : i32
      %mul3A_31 = arith.constant 4 : i32
      %mul3A_32 = arith.muli %scan3A_9, %mul3A_31 : i32
      %add3A_33 = arith.constant 3 : i32
      %add3A_34 = arith.addi %mul3A_32, %add3A_33 : i32
      %mul3A_35 = arith.constant 128 : i32
      %mul3A_36 = arith.muli %add3A_34, %mul3A_35 : i32
      %multiple_of3A_37 = tpu.assume_multiple %mul3A_36, 128 : i32
      %dma_start3A = tpu.memref_slice %arg5[%multiple_of3A] : memref<8192xi32, #tpu.memory_space<vmem>> -> memref<128xi32, #tpu.memory_space<vmem>>
      %dma_start3A_38 = arith.constant 0 : i32
      %dma_start3A_39 = arith.constant 0 : i32
      %dma_start3A_40 = tpu.memref_slice %arg3[%dma_start3A_38, %dma_start3A_39] : memref<32768x128xf32, #tpu.memory_space<hbm>> -> memref<32768x128xf32, #tpu.memory_space<hbm>>
      tpu.enqueue_indirect_dma source(%dma_start3A_40 : memref<32768x128xf32, #tpu.memory_space<hbm>>) target(%arg6 : memref<128x128xf32, #tpu.memory_space<vmem>>) offsets(%dma_start3A : memref<128xi32, #tpu.memory_space<vmem>>) semaphore(%arg10 : memref<!tpu.dma_semaphore, #tpu.memory_space<semaphore_mem>>)
      %dma_start3A_41 = tpu.memref_slice %arg5[%multiple_of3A_23] : memref<8192xi32, #tpu.memory_space<vmem>> -> memref<128xi32, #tpu.memory_space<vmem>>
      %dma_start3A_42 = arith.constant 0 : i32
      %dma_start3A_43 = arith.constant 0 : i32
      %dma_start3A_44 = tpu.memref_slice %arg3[%dma_start3A_42, %dma_start3A_43] : memref<32768x128xf32, #tpu.memory_space<hbm>> -> memref<32768x128xf32, #tpu.memory_space<hbm>>
      tpu.enqueue_indirect_dma source(%dma_start3A_44 : memref<32768x128xf32, #tpu.memory_space<hbm>>) target(%arg7 : memref<128x128xf32, #tpu.memory_space<vmem>>) offsets(%dma_start3A_41 : memref<128xi32, #tpu.memory_space<vmem>>) semaphore(%arg11 : memref<!tpu.dma_semaphore, #tpu.memory_space<semaphore_mem>>)
      %dma_start3A_45 = tpu.memref_slice %arg5[%multiple_of3A_30] : memref<8192xi32, #tpu.memory_space<vmem>> -> memref<128xi32, #tpu.memory_space<vmem>>
      %dma_start3A_46 = arith.constant 0 : i32
      %dma_start3A_47 = arith.constant 0 : i32
      %dma_start3A_48 = tpu.memref_slice %arg3[%dma_start3A_46, %dma_start3A_47] : memref<32768x128xf32, #tpu.memory_space<hbm>> -> memref<32768x128xf32, #tpu.memory_space<hbm>>
      tpu.enqueue_indirect_dma source(%dma_start3A_48 : memref<32768x128xf32, #tpu.memory_space<hbm>>) target(%arg8 : memref<128x128xf32, #tpu.memory_space<vmem>>) offsets(%dma_start3A_45 : memref<128xi32, #tpu.memory_space<vmem>>) semaphore(%arg12 : memref<!tpu.dma_semaphore, #tpu.memory_space<semaphore_mem>>)
      %dma_start3A_49 = tpu.memref_slice %arg5[%multiple_of3A_37] : memref<8192xi32, #tpu.memory_space<vmem>> -> memref<128xi32, #tpu.memory_space<vmem>>
      %dma_start3A_50 = arith.constant 0 : i32
      %dma_start3A_51 = arith.constant 0 : i32
      %dma_start3A_52 = tpu.memref_slice %arg3[%dma_start3A_50, %dma_start3A_51] : memref<32768x128xf32, #tpu.memory_space<hbm>> -> memref<32768x128xf32, #tpu.memory_space<hbm>>
      tpu.enqueue_indirect_dma source(%dma_start3A_52 : memref<32768x128xf32, #tpu.memory_space<hbm>>) target(%arg9 : memref<128x128xf32, #tpu.memory_space<vmem>>) offsets(%dma_start3A_49 : memref<128xi32, #tpu.memory_space<vmem>>) semaphore(%arg13 : memref<!tpu.dma_semaphore, #tpu.memory_space<semaphore_mem>>)
      %dma_wait3A = tpu.memref_slice %arg5[%multiple_of3A] : memref<8192xi32, #tpu.memory_space<vmem>> -> memref<128xi32, #tpu.memory_space<vmem>>
      %dma_wait3A_53 = arith.constant 0 : i32
      %dma_wait3A_54 = arith.constant 0 : i32
      %dma_wait3A_55 = tpu.memref_slice %arg3[%dma_wait3A_53, %dma_wait3A_54] : memref<32768x128xf32, #tpu.memory_space<hbm>> -> memref<32768x128xf32, #tpu.memory_space<hbm>>
      tpu.wait_indirect_dma semaphore(%arg10 : memref<!tpu.dma_semaphore, #tpu.memory_space<semaphore_mem>>) src(%dma_wait3A_55 : memref<32768x128xf32, #tpu.memory_space<hbm>>) dst(%arg6 : memref<128x128xf32, #tpu.memory_space<vmem>>)
      %add3A_56 = arith.addi %mul3A_2, %multiple_of3A : i32
      %dma_start3A_57 = arith.constant 0 : i32
      %dma_start3A_58 = tpu.memref_slice %arg4[%add3A_56, %dma_start3A_57] : memref<262144x128xf32, #tpu.memory_space<hbm>> -> memref<128x128xf32, #tpu.memory_space<hbm>>
      %dma_start3A_59 = arith.constant 0 : i32
      %dma_start3A_60 = tpu.memref_slice %arg4[%add3A_56, %dma_start3A_59] : memref<262144x128xf32, #tpu.memory_space<hbm>> -> memref<128x128xf32, #tpu.memory_space<hbm>>
      tpu.enqueue_dma source(%arg6 : memref<128x128xf32, #tpu.memory_space<vmem>>) target(%dma_start3A_60 : memref<128x128xf32, #tpu.memory_space<hbm>>) target_semaphore(%arg14 : memref<!tpu.dma_semaphore, #tpu.memory_space<semaphore_mem>>)
      %dma_wait3A_61 = tpu.memref_slice %arg5[%multiple_of3A_23] : memref<8192xi32, #tpu.memory_space<vmem>> -> memref<128xi32, #tpu.memory_space<vmem>>
      %dma_wait3A_62 = arith.constant 0 : i32
      %dma_wait3A_63 = arith.constant 0 : i32
      %dma_wait3A_64 = tpu.memref_slice %arg3[%dma_wait3A_62, %dma_wait3A_63] : memref<32768x128xf32, #tpu.memory_space<hbm>> -> memref<32768x128xf32, #tpu.memory_space<hbm>>
      tpu.wait_indirect_dma semaphore(%arg11 : memref<!tpu.dma_semaphore, #tpu.memory_space<semaphore_mem>>) src(%dma_wait3A_64 : memref<32768x128xf32, #tpu.memory_space<hbm>>) dst(%arg7 : memref<128x128xf32, #tpu.memory_space<vmem>>)
      %add3A_65 = arith.addi %mul3A_2, %multiple_of3A_23 : i32
      %dma_start3A_66 = arith.constant 0 : i32
      %dma_start3A_67 = tpu.memref_slice %arg4[%add3A_65, %dma_start3A_66] : memref<262144x128xf32, #tpu.memory_space<hbm>> -> memref<128x128xf32, #tpu.memory_space<hbm>>
      %dma_start3A_68 = arith.constant 0 : i32
      %dma_start3A_69 = tpu.memref_slice %arg4[%add3A_65, %dma_start3A_68] : memref<262144x128xf32, #tpu.memory_space<hbm>> -> memref<128x128xf32, #tpu.memory_space<hbm>>
      tpu.enqueue_dma source(%arg7 : memref<128x128xf32, #tpu.memory_space<vmem>>) target(%dma_start3A_69 : memref<128x128xf32, #tpu.memory_space<hbm>>) target_semaphore(%arg15 : memref<!tpu.dma_semaphore, #tpu.memory_space<semaphore_mem>>)
      %dma_wait3A_70 = tpu.memref_slice %arg5[%multiple_of3A_30] : memref<8192xi32, #tpu.memory_space<vmem>> -> memref<128xi32, #tpu.memory_space<vmem>>
      %dma_wait3A_71 = arith.constant 0 : i32
      %dma_wait3A_72 = arith.constant 0 : i32
      %dma_wait3A_73 = tpu.memref_slice %arg3[%dma_wait3A_71, %dma_wait3A_72] : memref<32768x128xf32, #tpu.memory_space<hbm>> -> memref<32768x128xf32, #tpu.memory_space<hbm>>
      tpu.wait_indirect_dma semaphore(%arg12 : memref<!tpu.dma_semaphore, #tpu.memory_space<semaphore_mem>>) src(%dma_wait3A_73 : memref<32768x128xf32, #tpu.memory_space<hbm>>) dst(%arg8 : memref<128x128xf32, #tpu.memory_space<vmem>>)
      %add3A_74 = arith.addi %mul3A_2, %multiple_of3A_30 : i32
      %dma_start3A_75 = arith.constant 0 : i32
      %dma_start3A_76 = tpu.memref_slice %arg4[%add3A_74, %dma_start3A_75] : memref<262144x128xf32, #tpu.memory_space<hbm>> -> memref<128x128xf32, #tpu.memory_space<hbm>>
      %dma_start3A_77 = arith.constant 0 : i32
      %dma_start3A_78 = tpu.memref_slice %arg4[%add3A_74, %dma_start3A_77] : memref<262144x128xf32, #tpu.memory_space<hbm>> -> memref<128x128xf32, #tpu.memory_space<hbm>>
      tpu.enqueue_dma source(%arg8 : memref<128x128xf32, #tpu.memory_space<vmem>>) target(%dma_start3A_78 : memref<128x128xf32, #tpu.memory_space<hbm>>) target_semaphore(%arg16 : memref<!tpu.dma_semaphore, #tpu.memory_space<semaphore_mem>>)
      %dma_wait3A_79 = tpu.memref_slice %arg5[%multiple_of3A_37] : memref<8192xi32, #tpu.memory_space<vmem>> -> memref<128xi32, #tpu.memory_space<vmem>>
      %dma_wait3A_80 = arith.constant 0 : i32
      %dma_wait3A_81 = arith.constant 0 : i32
      %dma_wait3A_82 = tpu.memref_slice %arg3[%dma_wait3A_80, %dma_wait3A_81] : memref<32768x128xf32, #tpu.memory_space<hbm>> -> memref<32768x128xf32, #tpu.memory_space<hbm>>
      tpu.wait_indirect_dma semaphore(%arg13 : memref<!tpu.dma_semaphore, #tpu.memory_space<semaphore_mem>>) src(%dma_wait3A_82 : memref<32768x128xf32, #tpu.memory_space<hbm>>) dst(%arg9 : memref<128x128xf32, #tpu.memory_space<vmem>>)
      %add3A_83 = arith.addi %mul3A_2, %multiple_of3A_37 : i32
      %dma_start3A_84 = arith.constant 0 : i32
      %dma_start3A_85 = tpu.memref_slice %arg4[%add3A_83, %dma_start3A_84] : memref<262144x128xf32, #tpu.memory_space<hbm>> -> memref<128x128xf32, #tpu.memory_space<hbm>>
      %dma_start3A_86 = arith.constant 0 : i32
      %dma_start3A_87 = tpu.memref_slice %arg4[%add3A_83, %dma_start3A_86] : memref<262144x128xf32, #tpu.memory_space<hbm>> -> memref<128x128xf32, #tpu.memory_space<hbm>>
      tpu.enqueue_dma source(%arg9 : memref<128x128xf32, #tpu.memory_space<vmem>>) target(%dma_start3A_87 : memref<128x128xf32, #tpu.memory_space<hbm>>) target_semaphore(%arg17 : memref<!tpu.dma_semaphore, #tpu.memory_space<semaphore_mem>>)
      %dma_wait3A_88 = arith.constant 0 : i32
      %dma_wait3A_89 = tpu.memref_slice %arg4[%add3A_56, %dma_wait3A_88] : memref<262144x128xf32, #tpu.memory_space<hbm>> -> memref<128x128xf32, #tpu.memory_space<hbm>>
      %dma_wait3A_90 = arith.constant 0 : i32
      %dma_wait3A_91 = tpu.memref_slice %arg4[%add3A_56, %dma_wait3A_90] : memref<262144x128xf32, #tpu.memory_space<hbm>> -> memref<128x128xf32, #tpu.memory_space<hbm>>
      tpu.wait_dma2 semaphore(%arg14 : memref<!tpu.dma_semaphore, #tpu.memory_space<semaphore_mem>>) src(%arg6 : memref<128x128xf32, #tpu.memory_space<vmem>>) dst(%dma_wait3A_91 : memref<128x128xf32, #tpu.memory_space<hbm>>)
      %dma_wait3A_92 = arith.constant 0 : i32
      %dma_wait3A_93 = tpu.memref_slice %arg4[%add3A_65, %dma_wait3A_92] : memref<262144x128xf32, #tpu.memory_space<hbm>> -> memref<128x128xf32, #tpu.memory_space<hbm>>
      %dma_wait3A_94 = arith.constant 0 : i32
      %dma_wait3A_95 = tpu.memref_slice %arg4[%add3A_65, %dma_wait3A_94] : memref<262144x128xf32, #tpu.memory_space<hbm>> -> memref<128x128xf32, #tpu.memory_space<hbm>>
      tpu.wait_dma2 semaphore(%arg15 : memref<!tpu.dma_semaphore, #tpu.memory_space<semaphore_mem>>) src(%arg7 : memref<128x128xf32, #tpu.memory_space<vmem>>) dst(%dma_wait3A_95 : memref<128x128xf32, #tpu.memory_space<hbm>>)
      %dma_wait3A_96 = arith.constant 0 : i32
      %dma_wait3A_97 = tpu.memref_slice %arg4[%add3A_74, %dma_wait3A_96] : memref<262144x128xf32, #tpu.memory_space<hbm>> -> memref<128x128xf32, #tpu.memory_space<hbm>>
      %dma_wait3A_98 = arith.constant 0 : i32
      %dma_wait3A_99 = tpu.memref_slice %arg4[%add3A_74, %dma_wait3A_98] : memref<262144x128xf32, #tpu.memory_space<hbm>> -> memref<128x128xf32, #tpu.memory_space<hbm>>
      tpu.wait_dma2 semaphore(%arg16 : memref<!tpu.dma_semaphore, #tpu.memory_space<semaphore_mem>>) src(%arg8 : memref<128x128xf32, #tpu.memory_space<vmem>>) dst(%dma_wait3A_99 : memref<128x128xf32, #tpu.memory_space<hbm>>)
      %dma_wait3A_100 = arith.constant 0 : i32
      %dma_wait3A_101 = tpu.memref_slice %arg4[%add3A_83, %dma_wait3A_100] : memref<262144x128xf32, #tpu.memory_space<hbm>> -> memref<128x128xf32, #tpu.memory_space<hbm>>
      %dma_wait3A_102 = arith.constant 0 : i32
      %dma_wait3A_103 = tpu.memref_slice %arg4[%add3A_83, %dma_wait3A_102] : memref<262144x128xf32, #tpu.memory_space<hbm>> -> memref<128x128xf32, #tpu.memory_space<hbm>>
      tpu.wait_dma2 semaphore(%arg17 : memref<!tpu.dma_semaphore, #tpu.memory_space<semaphore_mem>>) src(%arg9 : memref<128x128xf32, #tpu.memory_space<vmem>>) dst(%dma_wait3A_103 : memref<128x128xf32, #tpu.memory_space<hbm>>)
      %scan3A_104 = arith.constant 0 : i32
      scf.yield %scan3A_104 : i32
    }
    %scan3A_8 = arith.constant 16 : i32
    return
  }
}

module attributes {stable_mosaic.version = 14 : i64} {
  func.func @_fps_body(%arg0: memref<3x8x4096xf32, #tpu.memory_space<vmem>>, %arg1: memref<8x1024xi32, #tpu.memory_space<vmem>>, %arg2: memref<8x3x1024xf32, #tpu.memory_space<vmem>>) attributes {dimension_semantics = [], scalar_prefetch = 0 : i64, scratch_operands = 0 : i64, tpu.core_type = #tpu.core_type<tc>} {
    %get3A = arith.constant 0 : index
    %get3A_0 = arith.constant 0 : index
    %get3A_1 = arith.constant 0 : index
    %get3A_2 = vector.load %arg0[%get3A, %get3A_0, %get3A_1] : memref<3x8x4096xf32, #tpu.memory_space<vmem>>, vector<1x8x4096xf32>
    %get3A_3 = vector.shape_cast %get3A_2 : vector<1x8x4096xf32> to vector<8x4096xf32>
    %get3A_4 = arith.constant 1 : index
    %get3A_5 = arith.constant 0 : index
    %get3A_6 = arith.constant 0 : index
    %get3A_7 = vector.load %arg0[%get3A_4, %get3A_5, %get3A_6] : memref<3x8x4096xf32, #tpu.memory_space<vmem>>, vector<1x8x4096xf32>
    %get3A_8 = vector.shape_cast %get3A_7 : vector<1x8x4096xf32> to vector<8x4096xf32>
    %get3A_9 = arith.constant 2 : index
    %get3A_10 = arith.constant 0 : index
    %get3A_11 = arith.constant 0 : index
    %get3A_12 = vector.load %arg0[%get3A_9, %get3A_10, %get3A_11] : memref<3x8x4096xf32, #tpu.memory_space<vmem>>, vector<1x8x4096xf32>
    %get3A_13 = vector.shape_cast %get3A_12 : vector<1x8x4096xf32> to vector<8x4096xf32>
    %iota3A = tpu.iota {dimensions = array<i32: 1>} : vector<8x4096xi32>
    %iota3A_14 = tpu.iota {dimensions = array<i32: 0>} : vector<8x1024xi32>
    %iota3A_15 = tpu.iota {dimensions = array<i32: 1>} : vector<8x1024xi32>
    %broadcast_in_dim3A = arith.constant 1.000000e+10 : f32
    %broadcast_in_dim3A_16 = vector.broadcast %broadcast_in_dim3A : f32 to vector<8x4096xf32>
    %broadcast_in_dim3A_17 = arith.constant 0 : i32
    %broadcast_in_dim3A_18 = vector.broadcast %broadcast_in_dim3A_17 : i32 to vector<8x1xi32>
    %broadcast_in_dim3A_19 = arith.constant 0.000000e+00 : f32
    %broadcast_in_dim3A_20 = vector.broadcast %broadcast_in_dim3A_19 : f32 to vector<8x1024xf32>
    %broadcast_in_dim3A_21 = arith.constant 0 : i32
    %broadcast_in_dim3A_22 = vector.broadcast %broadcast_in_dim3A_21 : i32 to vector<8x1024xi32>
    %scan3A = arith.constant 0 : i32
    %scan3A_23 = arith.constant 1024 : i32
    %scan3A_24 = arith.addi %scan3A, %scan3A_23 : i32
    %scan3A_25 = arith.constant 1 : i32
    %scan3A_26:6 = scf.for %scan3A_48 = %scan3A to %scan3A_24 step %scan3A_25 iter_args(%scan3A_49 = %broadcast_in_dim3A_16, %scan3A_50 = %broadcast_in_dim3A_18, %scan3A_51 = %broadcast_in_dim3A_22, %scan3A_52 = %broadcast_in_dim3A_20, %scan3A_53 = %broadcast_in_dim3A_20, %scan3A_54 = %broadcast_in_dim3A_20) -> (vector<8x4096xf32>, vector<8x1xi32>, vector<8x1024xi32>, vector<8x1024xf32>, vector<8x1024xf32>, vector<8x1024xf32>)  : i32 {
      %eq3A = vector.broadcast %scan3A_50 : vector<8x1xi32> to vector<8x4096xi32>
      %eq3A_55 = arith.cmpi eq, %iota3A, %eq3A : vector<8x4096xi32>
      %jit3A = arith.constant 0.000000e+00 : f32
      %broadcast_in_dim3A_56 = vector.broadcast %jit3A : f32 to vector<8x4096xf32>
      %select_n3A = arith.select %eq3A_55, %get3A_3, %broadcast_in_dim3A_56 : vector<8x4096xi1>, vector<8x4096xf32>
      %reduce_sum3A = arith.constant dense<0.000000e+00> : vector<8xf32>
      %reduce_sum3A_57 = vector.multi_reduction <add>, %select_n3A, %reduce_sum3A [1] : vector<8x4096xf32> to vector<8xf32>
      %broadcast_in_dim3A_58 = vector.shape_cast %reduce_sum3A_57 : vector<8xf32> to vector<8x1xf32>
      %jit3A_59 = arith.constant 0.000000e+00 : f32
      %broadcast_in_dim3A_60 = vector.broadcast %jit3A_59 : f32 to vector<8x4096xf32>
      %select_n3A_61 = arith.select %eq3A_55, %get3A_8, %broadcast_in_dim3A_60 : vector<8x4096xi1>, vector<8x4096xf32>
      %reduce_sum3A_62 = arith.constant dense<0.000000e+00> : vector<8xf32>
      %reduce_sum3A_63 = vector.multi_reduction <add>, %select_n3A_61, %reduce_sum3A_62 [1] : vector<8x4096xf32> to vector<8xf32>
      %broadcast_in_dim3A_64 = vector.shape_cast %reduce_sum3A_63 : vector<8xf32> to vector<8x1xf32>
      %jit3A_65 = arith.constant 0.000000e+00 : f32
      %broadcast_in_dim3A_66 = vector.broadcast %jit3A_65 : f32 to vector<8x4096xf32>
      %select_n3A_67 = arith.select %eq3A_55, %get3A_13, %broadcast_in_dim3A_66 : vector<8x4096xi1>, vector<8x4096xf32>
      %reduce_sum3A_68 = arith.constant dense<0.000000e+00> : vector<8xf32>
      %reduce_sum3A_69 = vector.multi_reduction <add>, %select_n3A_67, %reduce_sum3A_68 [1] : vector<8x4096xf32> to vector<8xf32>
      %broadcast_in_dim3A_70 = vector.shape_cast %reduce_sum3A_69 : vector<8xf32> to vector<8x1xf32>
      %eq3A_71 = vector.broadcast %scan3A_48 : i32 to vector<8x1024xi32>
      %eq3A_72 = arith.cmpi eq, %iota3A_15, %eq3A_71 : vector<8x1024xi32>
      %ge3A = arith.constant 0 : i32
      %ge3A_73 = vector.broadcast %ge3A : i32 to vector<8x1024xi32>
      %ge3A_74 = arith.cmpi sge, %iota3A_14, %ge3A_73 : vector<8x1024xi32>
      %and3A = arith.andi %eq3A_72, %ge3A_74 : vector<8x1024xi1>
      %broadcast_in_dim3A_75 = vector.shape_cast %scan3A_50 : vector<8x1xi32> to vector<8x1xi32>
      %broadcast_in_dim3A_76 = vector.broadcast %broadcast_in_dim3A_75 : vector<8x1xi32> to vector<8x1024xi32>
      %jit3A_77 = arith.constant 0 : i32
      %broadcast_in_dim3A_78 = vector.broadcast %jit3A_77 : i32 to vector<8x1024xi32>
      %select_n3A_79 = arith.select %and3A, %broadcast_in_dim3A_76, %broadcast_in_dim3A_78 : vector<8x1024xi1>, vector<8x1024xi32>
      %add3A = arith.addi %scan3A_51, %select_n3A_79 : vector<8x1024xi32>
      %broadcast_in_dim3A_80 = vector.shape_cast %broadcast_in_dim3A_58 : vector<8x1xf32> to vector<8x1xf32>
      %broadcast_in_dim3A_81 = vector.broadcast %broadcast_in_dim3A_80 : vector<8x1xf32> to vector<8x1024xf32>
      %jit3A_82 = arith.constant 0.000000e+00 : f32
      %broadcast_in_dim3A_83 = vector.broadcast %jit3A_82 : f32 to vector<8x1024xf32>
      %select_n3A_84 = arith.select %and3A, %broadcast_in_dim3A_81, %broadcast_in_dim3A_83 : vector<8x1024xi1>, vector<8x1024xf32>
      %add3A_85 = arith.addf %scan3A_52, %select_n3A_84 : vector<8x1024xf32>
      %broadcast_in_dim3A_86 = vector.shape_cast %broadcast_in_dim3A_64 : vector<8x1xf32> to vector<8x1xf32>
      %broadcast_in_dim3A_87 = vector.broadcast %broadcast_in_dim3A_86 : vector<8x1xf32> to vector<8x1024xf32>
      %jit3A_88 = arith.constant 0.000000e+00 : f32
      %broadcast_in_dim3A_89 = vector.broadcast %jit3A_88 : f32 to vector<8x1024xf32>
      %select_n3A_90 = arith.select %and3A, %broadcast_in_dim3A_87, %broadcast_in_dim3A_89 : vector<8x1024xi1>, vector<8x1024xf32>
      %add3A_91 = arith.addf %scan3A_53, %select_n3A_90 : vector<8x1024xf32>
      %broadcast_in_dim3A_92 = vector.shape_cast %broadcast_in_dim3A_70 : vector<8x1xf32> to vector<8x1xf32>
      %broadcast_in_dim3A_93 = vector.broadcast %broadcast_in_dim3A_92 : vector<8x1xf32> to vector<8x1024xf32>
      %jit3A_94 = arith.constant 0.000000e+00 : f32
      %broadcast_in_dim3A_95 = vector.broadcast %jit3A_94 : f32 to vector<8x1024xf32>
      %select_n3A_96 = arith.select %and3A, %broadcast_in_dim3A_93, %broadcast_in_dim3A_95 : vector<8x1024xi1>, vector<8x1024xf32>
      %add3A_97 = arith.addf %scan3A_54, %select_n3A_96 : vector<8x1024xf32>
      %sub3A = vector.broadcast %broadcast_in_dim3A_58 : vector<8x1xf32> to vector<8x4096xf32>
      %sub3A_98 = arith.subf %get3A_3, %sub3A : vector<8x4096xf32>
      %integer_pow3A = arith.mulf %sub3A_98, %sub3A_98 : vector<8x4096xf32>
      %sub3A_99 = vector.broadcast %broadcast_in_dim3A_64 : vector<8x1xf32> to vector<8x4096xf32>
      %sub3A_100 = arith.subf %get3A_8, %sub3A_99 : vector<8x4096xf32>
      %integer_pow3A_101 = arith.mulf %sub3A_100, %sub3A_100 : vector<8x4096xf32>
      %add3A_102 = arith.addf %integer_pow3A, %integer_pow3A_101 : vector<8x4096xf32>
      %sub3A_103 = vector.broadcast %broadcast_in_dim3A_70 : vector<8x1xf32> to vector<8x4096xf32>
      %sub3A_104 = arith.subf %get3A_13, %sub3A_103 : vector<8x4096xf32>
      %integer_pow3A_105 = arith.mulf %sub3A_104, %sub3A_104 : vector<8x4096xf32>
      %add3A_106 = arith.addf %add3A_102, %integer_pow3A_105 : vector<8x4096xf32>
      %min3A = arith.minimumf %scan3A_49, %add3A_106 : vector<8x4096xf32>
      %reduce_max3A = arith.constant dense<0xFF800000> : vector<8xf32>
      %reduce_max3A_107 = vector.multi_reduction <maximumf>, %min3A, %reduce_max3A [1] : vector<8x4096xf32> to vector<8xf32>
      %broadcast_in_dim3A_108 = vector.shape_cast %reduce_max3A_107 : vector<8xf32> to vector<8x1xf32>
      %eq3A_109 = vector.broadcast %broadcast_in_dim3A_108 : vector<8x1xf32> to vector<8x4096xf32>
      %eq3A_110 = arith.cmpf oeq, %min3A, %eq3A_109 : vector<8x4096xf32>
      %jit3A_111 = arith.constant 4096 : i32
      %broadcast_in_dim3A_112 = vector.broadcast %jit3A_111 : i32 to vector<8x4096xi32>
      %select_n3A_113 = arith.select %eq3A_110, %iota3A, %broadcast_in_dim3A_112 : vector<8x4096xi1>, vector<8x4096xi32>
      %reduce_min3A = arith.constant dense<2147483647> : vector<8xi32>
      %reduce_min3A_114 = vector.multi_reduction <minsi>, %select_n3A_113, %reduce_min3A [1] : vector<8x4096xi32> to vector<8xi32>
      %broadcast_in_dim3A_115 = vector.shape_cast %reduce_min3A_114 : vector<8xi32> to vector<8x1xi32>
      scf.yield %min3A, %broadcast_in_dim3A_115, %add3A, %add3A_85, %add3A_91, %add3A_97 : vector<8x4096xf32>, vector<8x1xi32>, vector<8x1024xi32>, vector<8x1024xf32>, vector<8x1024xf32>, vector<8x1024xf32>
    }
    %scan3A_27 = arith.constant 1024 : i32
    %swap3A = arith.constant 0 : index
    %swap3A_28 = arith.constant 0 : index
    %swap3A_29 = vector.load %arg1[%swap3A, %swap3A_28] : memref<8x1024xi32, #tpu.memory_space<vmem>>, vector<8x1024xi32>
    tpu.vector_store %arg1[%swap3A, %swap3A_28], %scan3A_26#2 {strides = array<i32>} : memref<8x1024xi32, #tpu.memory_space<vmem>>, vector<8x1024xi32>,
    %swap3A_30 = arith.constant 0 : index
    %swap3A_31 = arith.constant 0 : index
    %swap3A_32 = arith.constant 0 : index
    %swap3A_33 = vector.load %arg2[%swap3A_30, %swap3A_31, %swap3A_32] : memref<8x3x1024xf32, #tpu.memory_space<vmem>>, vector<8x1x1024xf32>
    %swap3A_34 = vector.shape_cast %swap3A_33 : vector<8x1x1024xf32> to vector<8x1024xf32>
    %swap3A_35 = vector.shape_cast %scan3A_26#3 : vector<8x1024xf32> to vector<8x1x1024xf32>
    tpu.vector_store %arg2[%swap3A_30, %swap3A_31, %swap3A_32], %swap3A_35 {strides = array<i32>} : memref<8x3x1024xf32, #tpu.memory_space<vmem>>, vector<8x1x1024xf32>,
    %swap3A_36 = arith.constant 0 : index
    %swap3A_37 = arith.constant 1 : index
    %swap3A_38 = arith.constant 0 : index
    %swap3A_39 = vector.load %arg2[%swap3A_36, %swap3A_37, %swap3A_38] : memref<8x3x1024xf32, #tpu.memory_space<vmem>>, vector<8x1x1024xf32>
    %swap3A_40 = vector.shape_cast %swap3A_39 : vector<8x1x1024xf32> to vector<8x1024xf32>
    %swap3A_41 = vector.shape_cast %scan3A_26#4 : vector<8x1024xf32> to vector<8x1x1024xf32>
    tpu.vector_store %arg2[%swap3A_36, %swap3A_37, %swap3A_38], %swap3A_41 {strides = array<i32>} : memref<8x3x1024xf32, #tpu.memory_space<vmem>>, vector<8x1x1024xf32>,
    %swap3A_42 = arith.constant 0 : index
    %swap3A_43 = arith.constant 2 : index
    %swap3A_44 = arith.constant 0 : index
    %swap3A_45 = vector.load %arg2[%swap3A_42, %swap3A_43, %swap3A_44] : memref<8x3x1024xf32, #tpu.memory_space<vmem>>, vector<8x1x1024xf32>
    %swap3A_46 = vector.shape_cast %swap3A_45 : vector<8x1x1024xf32> to vector<8x1024xf32>
    %swap3A_47 = vector.shape_cast %scan3A_26#5 : vector<8x1024xf32> to vector<8x1x1024xf32>
    tpu.vector_store %arg2[%swap3A_42, %swap3A_43, %swap3A_44], %swap3A_47 {strides = array<i32>} : memref<8x3x1024xf32, #tpu.memory_space<vmem>>, vector<8x1x1024xf32>,
    return
  }
}

module attributes {stable_mosaic.version = 14 : i64} {
  func.func @_knn_body(%arg0: i32, %arg1: i32, %arg2: memref<1x4096x3xf32, #tpu.memory_space<vmem>>, %arg3: memref<1x3x256xf32, #tpu.memory_space<vmem>>, %arg4: memref<1x256x32xi32, #tpu.memory_space<vmem>>, %arg5: memref<4096x256xf32, #tpu.memory_space<vmem>>, %arg6: memref<32x256xi32, #tpu.memory_space<vmem>>) attributes {dimension_semantics = [#tpu.dimension_semantics<arbitrary>, #tpu.dimension_semantics<arbitrary>], iteration_bounds = array<i64: 8, 4>, scalar_prefetch = 0 : i64, scratch_operands = 2 : i64, tpu.core_type = #tpu.core_type<tc>, window_params = [{transform_indices = @transform_0, window_bounds = array<i64: 1, 4096, 3>}, {transform_indices = @transform_1, window_bounds = array<i64: 1, 3, 256>}, {transform_indices = @transform_2, window_bounds = array<i64: 1, 256, 32>}]} {
    %get3A = arith.constant 0 : index
    %get3A_0 = arith.constant 0 : index
    %get3A_1 = arith.constant 0 : index
    %get3A_2 = vector.load %arg2[%get3A, %get3A_0, %get3A_1] : memref<1x4096x3xf32, #tpu.memory_space<vmem>>, vector<1x4096x3xf32>
    %get3A_3 = vector.shape_cast %get3A_2 : vector<1x4096x3xf32> to vector<4096x3xf32>
    %get3A_4 = arith.constant 0 : index
    %get3A_5 = arith.constant 0 : index
    %get3A_6 = arith.constant 0 : index
    %get3A_7 = vector.load %arg3[%get3A_4, %get3A_5, %get3A_6] : memref<1x3x256xf32, #tpu.memory_space<vmem>>, vector<1x3x256xf32>
    %get3A_8 = vector.shape_cast %get3A_7 : vector<1x3x256xf32> to vector<3x256xf32>
    %dot_general3A = arith.constant dense<0.000000e+00> : vector<4096x256xf32>
    %dot_general3A_9 = tpu.matmul %get3A_3, %get3A_8, %dot_general3A {dimension_numbers = #tpu.dot_dimension_numbers<[1], [0], [0], [1], [0, 0, 1, 1], [], []>, transpose_lhs_hint = false} : vector<4096x3xf32>, vector<3x256xf32>, vector<4096x256xf32> -> vector<4096x256xf32>
    %mul3A = arith.constant -2.000000e+00 : f32
    %mul3A_10 = vector.broadcast %mul3A : f32 to vector<4096x256xf32>
    %mul3A_11 = arith.mulf %mul3A_10, %dot_general3A_9 : vector<4096x256xf32>
    %mul3A_12 = arith.mulf %get3A_3, %get3A_3 : vector<4096x3xf32>
    %reduce_sum3A = arith.constant dense<0.000000e+00> : vector<4096xf32>
    %reduce_sum3A_13 = vector.multi_reduction <add>, %mul3A_12, %reduce_sum3A [1] : vector<4096x3xf32> to vector<4096xf32>
    %broadcast_in_dim3A = vector.shape_cast %reduce_sum3A_13 : vector<4096xf32> to vector<4096x1xf32>
    %add3A = vector.broadcast %broadcast_in_dim3A : vector<4096x1xf32> to vector<4096x256xf32>
    %add3A_14 = arith.addf %mul3A_11, %add3A : vector<4096x256xf32>
    %mul3A_15 = arith.mulf %get3A_8, %get3A_8 : vector<3x256xf32>
    %reduce_sum3A_16 = arith.constant dense<0.000000e+00> : vector<256xf32>
    %reduce_sum3A_17 = vector.multi_reduction <add>, %mul3A_15, %reduce_sum3A_16 [0] : vector<3x256xf32> to vector<256xf32>
    %broadcast_in_dim3A_18 = vector.shape_cast %reduce_sum3A_17 : vector<256xf32> to vector<1x256xf32>
    %add3A_19 = vector.broadcast %broadcast_in_dim3A_18 : vector<1x256xf32> to vector<4096x256xf32>
    %add3A_20 = arith.addf %add3A_14, %add3A_19 : vector<4096x256xf32>
    %swap3A = arith.constant 0 : index
    %swap3A_21 = arith.constant 0 : index
    %swap3A_22 = vector.load %arg5[%swap3A, %swap3A_21] : memref<4096x256xf32, #tpu.memory_space<vmem>>, vector<4096x256xf32>
    tpu.vector_store %arg5[%swap3A, %swap3A_21], %add3A_20 {strides = array<i32>} : memref<4096x256xf32, #tpu.memory_space<vmem>>, vector<4096x256xf32>,
    %iota3A = tpu.iota {dimensions = array<i32: 0>} : vector<4096x256xi32>
    %broadcast_in_dim3A_23 = arith.constant -1.000000e+10 : f32
    %broadcast_in_dim3A_24 = vector.broadcast %broadcast_in_dim3A_23 : f32 to vector<1x256xf32>
    %broadcast_in_dim3A_25 = arith.constant -1 : i32
    %broadcast_in_dim3A_26 = vector.broadcast %broadcast_in_dim3A_25 : i32 to vector<1x256xi32>
    %scan3A = arith.constant 0 : i32
    %scan3A_27 = arith.constant 32 : i32
    %scan3A_28 = arith.addi %scan3A, %scan3A_27 : i32
    %scan3A_29 = arith.constant 1 : i32
    %scan3A_30:2 = scf.for %scan3A_45 = %scan3A to %scan3A_28 step %scan3A_29 iter_args(%scan3A_46 = %broadcast_in_dim3A_24, %scan3A_47 = %broadcast_in_dim3A_26) -> (vector<1x256xf32>, vector<1x256xi32>)  : i32 {
      %get3A_48 = arith.constant 0 : index
      %get3A_49 = arith.constant 0 : index
      %get3A_50 = vector.load %arg5[%get3A_48, %get3A_49] : memref<4096x256xf32, #tpu.memory_space<vmem>>, vector<4096x256xf32>
      %gt3A = vector.broadcast %scan3A_46 : vector<1x256xf32> to vector<4096x256xf32>
      %gt3A_51 = arith.cmpf ogt, %get3A_50, %gt3A : vector<4096x256xf32>
      %eq3A = vector.broadcast %scan3A_46 : vector<1x256xf32> to vector<4096x256xf32>
      %eq3A_52 = arith.cmpf oeq, %get3A_50, %eq3A : vector<4096x256xf32>
      %gt3A_53 = vector.broadcast %scan3A_47 : vector<1x256xi32> to vector<4096x256xi32>
      %gt3A_54 = arith.cmpi sgt, %iota3A, %gt3A_53 : vector<4096x256xi32>
      %and3A = arith.andi %eq3A_52, %gt3A_54 : vector<4096x256xi1>
      %or3A = arith.ori %gt3A_51, %and3A : vector<4096x256xi1>
      %jit3A = arith.constant 1.000000e+10 : f32
      %broadcast_in_dim3A_55 = vector.broadcast %jit3A : f32 to vector<4096x256xf32>
      %select_n3A = arith.select %or3A, %get3A_50, %broadcast_in_dim3A_55 : vector<4096x256xi1>, vector<4096x256xf32>
      %reduce_min3A = arith.constant dense<0x7F800000> : vector<256xf32>
      %reduce_min3A_56 = vector.multi_reduction <minimumf>, %select_n3A, %reduce_min3A [0] : vector<4096x256xf32> to vector<256xf32>
      %broadcast_in_dim3A_57 = vector.shape_cast %reduce_min3A_56 : vector<256xf32> to vector<1x256xf32>
      %eq3A_58 = vector.broadcast %broadcast_in_dim3A_57 : vector<1x256xf32> to vector<4096x256xf32>
      %eq3A_59 = arith.cmpf oeq, %select_n3A, %eq3A_58 : vector<4096x256xf32>
      %jit3A_60 = arith.constant 4096 : i32
      %broadcast_in_dim3A_61 = vector.broadcast %jit3A_60 : i32 to vector<4096x256xi32>
      %select_n3A_62 = arith.select %eq3A_59, %iota3A, %broadcast_in_dim3A_61 : vector<4096x256xi1>, vector<4096x256xi32>
      %reduce_min3A_63 = arith.constant dense<2147483647> : vector<256xi32>
      %reduce_min3A_64 = vector.multi_reduction <minsi>, %select_n3A_62, %reduce_min3A_63 [0] : vector<4096x256xi32> to vector<256xi32>
      %broadcast_in_dim3A_65 = vector.shape_cast %reduce_min3A_64 : vector<256xi32> to vector<1x256xi32>
      %swap3A_66 = arith.index_cast %scan3A_45 : i32 to index
      %swap3A_67 = arith.constant 0 : index
      %swap3A_68 = vector.load %arg6[%swap3A_66, %swap3A_67] : memref<32x256xi32, #tpu.memory_space<vmem>>, vector<1x256xi32>
      tpu.vector_store %arg6[%swap3A_66, %swap3A_67], %broadcast_in_dim3A_65 {strides = array<i32>} : memref<32x256xi32, #tpu.memory_space<vmem>>, vector<1x256xi32>,
      scf.yield %broadcast_in_dim3A_57, %broadcast_in_dim3A_65 : vector<1x256xf32>, vector<1x256xi32>
    }
    %scan3A_31 = arith.constant 32 : i32
    %mul3A_32 = arith.constant 4096 : i32
    %mul3A_33 = arith.muli %arg0, %mul3A_32 : i32
    %get3A_34 = arith.constant 0 : index
    %get3A_35 = arith.constant 0 : index
    %get3A_36 = vector.load %arg6[%get3A_34, %get3A_35] : memref<32x256xi32, #tpu.memory_space<vmem>>, vector<32x256xi32>
    %transpose3A = tpu.transpose %get3A_36, [1, 0] : vector<32x256xi32> -> vector<256x32xi32>
    %add3A_37 = vector.broadcast %mul3A_33 : i32 to vector<256x32xi32>
    %add3A_38 = arith.addi %transpose3A, %add3A_37 : vector<256x32xi32>
    %swap3A_39 = arith.constant 0 : index
    %swap3A_40 = arith.constant 0 : index
    %swap3A_41 = arith.constant 0 : index
    %swap3A_42 = vector.load %arg4[%swap3A_39, %swap3A_40, %swap3A_41] : memref<1x256x32xi32, #tpu.memory_space<vmem>>, vector<1x256x32xi32>
    %swap3A_43 = vector.shape_cast %swap3A_42 : vector<1x256x32xi32> to vector<256x32xi32>
    %swap3A_44 = vector.shape_cast %add3A_38 : vector<256x32xi32> to vector<1x256x32xi32>
    tpu.vector_store %arg4[%swap3A_39, %swap3A_40, %swap3A_41], %swap3A_44 {strides = array<i32>} : memref<1x256x32xi32, #tpu.memory_space<vmem>>, vector<1x256x32xi32>,
    return
  }
  func.func @transform_0(%arg0: i32, %arg1: i32) -> (i32, i32, i32) {
    %c0_i32 = arith.constant 0 : i32
    %c0_i32_0 = arith.constant 0 : i32
    %c0_i32_1 = arith.constant 0 : i32
    return %arg0, %c0_i32, %c0_i32_0 : i32, i32, i32
  }
  func.func @transform_1(%arg0: i32, %arg1: i32) -> (i32, i32, i32) {
    %c0_i32 = arith.constant 0 : i32
    %c0_i32_0 = arith.constant 0 : i32
    return %arg0, %c0_i32, %arg1 : i32, i32, i32
  }
  func.func @transform_2(%arg0: i32, %arg1: i32) -> (i32, i32, i32) {
    %c0_i32 = arith.constant 0 : i32
    %c0_i32_0 = arith.constant 0 : i32
    return %arg0, %arg1, %c0_i32 : i32, i32, i32
  }
}

module attributes {stable_mosaic.version = 14 : i64} {
  func.func @_h_body(%arg0: i32, %arg1: i32, %arg2: memref<1x128x512xf32, #tpu.memory_space<vmem>>, %arg3: memref<1x512x3xf32, #tpu.memory_space<vmem>>, %arg4: memref<128x128xf32, #tpu.memory_space<vmem>>, %arg5: memref<3x128xf32, #tpu.memory_space<vmem>>, %arg6: memref<1x512x128xf32, #tpu.memory_space<vmem>>) attributes {dimension_semantics = [#tpu.dimension_semantics<arbitrary>, #tpu.dimension_semantics<arbitrary>], iteration_bounds = array<i64: 8, 8>, scalar_prefetch = 0 : i64, scratch_operands = 0 : i64, tpu.core_type = #tpu.core_type<tc>, window_params = [{transform_indices = @transform_0, window_bounds = array<i64: 1, 128, 512>}, {transform_indices = @transform_1, window_bounds = array<i64: 1, 512, 3>}, {pipeline_mode = #tpu.pipeline_mode<synchronous>, transform_indices = @transform_2, window_bounds = array<i64: 128, 128>}, {pipeline_mode = #tpu.pipeline_mode<synchronous>, transform_indices = @transform_3, window_bounds = array<i64: 3, 128>}, {transform_indices = @transform_4, window_bounds = array<i64: 1, 512, 128>}]} {
    %get3A = arith.constant 0 : index
    %get3A_0 = arith.constant 0 : index
    %get3A_1 = arith.constant 0 : index
    %get3A_2 = vector.load %arg2[%get3A, %get3A_0, %get3A_1] : memref<1x128x512xf32, #tpu.memory_space<vmem>>, vector<1x128x512xf32>
    %get3A_3 = vector.shape_cast %get3A_2 : vector<1x128x512xf32> to vector<128x512xf32>
    %get3A_4 = arith.constant 0 : index
    %get3A_5 = arith.constant 0 : index
    %get3A_6 = vector.load %arg4[%get3A_4, %get3A_5] : memref<128x128xf32, #tpu.memory_space<vmem>>, vector<128x128xf32>
    %dot_general3A = arith.constant dense<0.000000e+00> : vector<512x128xf32>
    %dot_general3A_7 = tpu.matmul %get3A_3, %get3A_6, %dot_general3A {dimension_numbers = #tpu.dot_dimension_numbers<[0], [0], [1], [1], [0, 1, 1, 1], [], []>, transpose_lhs_hint = false} : vector<128x512xf32>, vector<128x128xf32>, vector<512x128xf32> -> vector<512x128xf32>
    %get3A_8 = arith.constant 0 : index
    %get3A_9 = arith.constant 0 : index
    %get3A_10 = arith.constant 0 : index
    %get3A_11 = vector.load %arg3[%get3A_8, %get3A_9, %get3A_10] : memref<1x512x3xf32, #tpu.memory_space<vmem>>, vector<1x512x3xf32>
    %get3A_12 = vector.shape_cast %get3A_11 : vector<1x512x3xf32> to vector<512x3xf32>
    %get3A_13 = arith.constant 0 : index
    %get3A_14 = arith.constant 0 : index
    %get3A_15 = vector.load %arg5[%get3A_13, %get3A_14] : memref<3x128xf32, #tpu.memory_space<vmem>>, vector<3x128xf32>
    %dot_general3A_16 = arith.constant dense<0.000000e+00> : vector<512x128xf32>
    %dot_general3A_17 = tpu.matmul %get3A_12, %get3A_15, %dot_general3A_16 {dimension_numbers = #tpu.dot_dimension_numbers<[1], [0], [0], [1], [0, 0, 1, 1], [], []>, transpose_lhs_hint = false} : vector<512x3xf32>, vector<3x128xf32>, vector<512x128xf32> -> vector<512x128xf32>
    %add3A = arith.addf %dot_general3A_7, %dot_general3A_17 : vector<512x128xf32>
    %swap3A = arith.constant 0 : index
    %swap3A_18 = arith.constant 0 : index
    %swap3A_19 = arith.constant 0 : index
    %swap3A_20 = vector.load %arg6[%swap3A, %swap3A_18, %swap3A_19] : memref<1x512x128xf32, #tpu.memory_space<vmem>>, vector<1x512x128xf32>
    %swap3A_21 = vector.shape_cast %swap3A_20 : vector<1x512x128xf32> to vector<512x128xf32>
    %swap3A_22 = vector.shape_cast %add3A : vector<512x128xf32> to vector<1x512x128xf32>
    tpu.vector_store %arg6[%swap3A, %swap3A_18, %swap3A_19], %swap3A_22 {strides = array<i32>} : memref<1x512x128xf32, #tpu.memory_space<vmem>>, vector<1x512x128xf32>,
    return
  }
  func.func @transform_0(%arg0: i32, %arg1: i32) -> (i32, i32, i32) {
    %c0_i32 = arith.constant 0 : i32
    %c0_i32_0 = arith.constant 0 : i32
    return %arg0, %c0_i32, %arg1 : i32, i32, i32
  }
  func.func @transform_1(%arg0: i32, %arg1: i32) -> (i32, i32, i32) {
    %c0_i32 = arith.constant 0 : i32
    %c0_i32_0 = arith.constant 0 : i32
    return %arg0, %arg1, %c0_i32 : i32, i32, i32
  }
  func.func @transform_2(%arg0: i32, %arg1: i32) -> (i32, i32) {
    %c0_i32 = arith.constant 0 : i32
    %c0_i32_0 = arith.constant 0 : i32
    %c0_i32_1 = arith.constant 0 : i32
    return %c0_i32, %c0_i32_0 : i32, i32
  }
  func.func @transform_3(%arg0: i32, %arg1: i32) -> (i32, i32) {
    %c0_i32 = arith.constant 0 : i32
    %c0_i32_0 = arith.constant 0 : i32
    %c0_i32_1 = arith.constant 0 : i32
    return %c0_i32, %c0_i32_0 : i32, i32
  }
  func.func @transform_4(%arg0: i32, %arg1: i32) -> (i32, i32, i32) {
    %c0_i32 = arith.constant 0 : i32
    %c0_i32_0 = arith.constant 0 : i32
    return %arg0, %arg1, %c0_i32 : i32, i32, i32
  }
}

module attributes {stable_mosaic.version = 14 : i64} {
  func.func @_mlp0_body(%arg0: i32, %arg1: memref<8192x128xf32, #tpu.memory_space<vmem>>, %arg2: memref<256x8xf32, #tpu.memory_space<vmem>>, %arg3: memref<8x128xf32, #tpu.memory_space<vmem>>, %arg4: memref<1x128xf32, #tpu.memory_space<vmem>>, %arg5: memref<8192x128xf32, #tpu.memory_space<vmem>>, %arg6: memref<1x128xf32, #tpu.memory_space<vmem>>, %arg7: memref<1x128xf32, #tpu.memory_space<vmem>>) attributes {dimension_semantics = [#tpu.dimension_semantics<arbitrary>], iteration_bounds = array<i64: 32>, scalar_prefetch = 0 : i64, scratch_operands = 0 : i64, tpu.core_type = #tpu.core_type<tc>, window_params = [{transform_indices = @transform_0, window_bounds = array<i64: 8192, 128>}, {transform_indices = @transform_1, window_bounds = array<i64: 256, 8>}, {pipeline_mode = #tpu.pipeline_mode<synchronous>, transform_indices = @transform_2, window_bounds = array<i64: 8, 128>}, {pipeline_mode = #tpu.pipeline_mode<synchronous>, transform_indices = @transform_3, window_bounds = array<i64: 1, 128>}, {transform_indices = @transform_4, window_bounds = array<i64: 8192, 128>}, {pipeline_mode = #tpu.pipeline_mode<synchronous>, transform_indices = @transform_5, window_bounds = array<i64: 1, 128>}, {pipeline_mode = #tpu.pipeline_mode<synchronous>, transform_indices = @transform_6, window_bounds = array<i64: 1, 128>}]} {
    %get3A = arith.constant 0 : index
    %get3A_0 = arith.constant 0 : index
    %get3A_1 = vector.load %arg2[%get3A, %get3A_0] : memref<256x8xf32, #tpu.memory_space<vmem>>, vector<256x8xf32>
    %get3A_2 = arith.constant 0 : index
    %get3A_3 = arith.constant 0 : index
    %get3A_4 = vector.load %arg3[%get3A_2, %get3A_3] : memref<8x128xf32, #tpu.memory_space<vmem>>, vector<8x128xf32>
    %dot_general3A = arith.constant dense<0.000000e+00> : vector<256x128xf32>
    %dot_general3A_5 = tpu.matmul %get3A_1, %get3A_4, %dot_general3A {dimension_numbers = #tpu.dot_dimension_numbers<[1], [0], [0], [1], [0, 0, 1, 1], [], []>, transpose_lhs_hint = false} : vector<256x8xf32>, vector<8x128xf32>, vector<256x128xf32> -> vector<256x128xf32>
    %broadcast_in_dim3A = vector.shape_cast %dot_general3A_5 : vector<256x128xf32> to vector<256x1x128xf32>
    %broadcast_in_dim3A_6 = vector.shape_cast %broadcast_in_dim3A : vector<256x1x128xf32> to vector<256x1x128xf32>
    %broadcast_in_dim3A_7 = vector.broadcast %broadcast_in_dim3A_6 : vector<256x1x128xf32> to vector<256x32x128xf32>
    %reshape3A = vector.shape_cast %broadcast_in_dim3A_7 : vector<256x32x128xf32> to vector<8192x128xf32>
    %get3A_8 = arith.constant 0 : index
    %get3A_9 = arith.constant 0 : index
    %get3A_10 = vector.load %arg1[%get3A_8, %get3A_9] : memref<8192x128xf32, #tpu.memory_space<vmem>>, vector<8192x128xf32>
    %sub3A = arith.subf %get3A_10, %reshape3A : vector<8192x128xf32>
    %get3A_11 = arith.constant 0 : index
    %get3A_12 = arith.constant 0 : index
    %get3A_13 = vector.load %arg4[%get3A_11, %get3A_12] : memref<1x128xf32, #tpu.memory_space<vmem>>, vector<1x128xf32>
    %add3A = vector.broadcast %get3A_13 : vector<1x128xf32> to vector<8192x128xf32>
    %add3A_14 = arith.addf %sub3A, %add3A : vector<8192x128xf32>
    %swap3A = arith.constant 0 : index
    %swap3A_15 = arith.constant 0 : index
    %swap3A_16 = vector.load %arg5[%swap3A, %swap3A_15] : memref<8192x128xf32, #tpu.memory_space<vmem>>, vector<8192x128xf32>
    tpu.vector_store %arg5[%swap3A, %swap3A_15], %add3A_14 {strides = array<i32>} : memref<8192x128xf32, #tpu.memory_space<vmem>>, vector<8192x128xf32>,
    %reduce_sum3A = arith.constant dense<0.000000e+00> : vector<128xf32>
    %reduce_sum3A_17 = vector.multi_reduction <add>, %add3A_14, %reduce_sum3A [0] : vector<8192x128xf32> to vector<128xf32>
    %broadcast_in_dim3A_18 = vector.shape_cast %reduce_sum3A_17 : vector<128xf32> to vector<1x128xf32>
    %mul3A = arith.mulf %add3A_14, %add3A_14 : vector<8192x128xf32>
    %reduce_sum3A_19 = arith.constant dense<0.000000e+00> : vector<128xf32>
    %reduce_sum3A_20 = vector.multi_reduction <add>, %mul3A, %reduce_sum3A_19 [0] : vector<8192x128xf32> to vector<128xf32>
    %broadcast_in_dim3A_21 = vector.shape_cast %reduce_sum3A_20 : vector<128xf32> to vector<1x128xf32>
    %eq3A = arith.constant 0 : i32
    %eq3A_22 = arith.cmpi eq, %arg0, %eq3A : i32
    %convert_element_type3A = arith.extui %eq3A_22 : i1 to i32
    %cond3A = arith.constant 0 : i32
    %cond3A_23 = arith.cmpi ne, %convert_element_type3A, %cond3A : i32
    scf.if %cond3A_23 {
      %swap3A_28 = arith.constant 0 : index
      %swap3A_29 = arith.constant 0 : index
      %swap3A_30 = vector.load %arg6[%swap3A_28, %swap3A_29] : memref<1x128xf32, #tpu.memory_space<vmem>>, vector<1x128xf32>
      tpu.vector_store %arg6[%swap3A_28, %swap3A_29], %broadcast_in_dim3A_18 {strides = array<i32>} : memref<1x128xf32, #tpu.memory_space<vmem>>, vector<1x128xf32>,
      %swap3A_31 = arith.constant 0 : index
      %swap3A_32 = arith.constant 0 : index
      %swap3A_33 = vector.load %arg7[%swap3A_31, %swap3A_32] : memref<1x128xf32, #tpu.memory_space<vmem>>, vector<1x128xf32>
      tpu.vector_store %arg7[%swap3A_31, %swap3A_32], %broadcast_in_dim3A_21 {strides = array<i32>} : memref<1x128xf32, #tpu.memory_space<vmem>>, vector<1x128xf32>,
    } else {
    }
    %ne3A = arith.constant 0 : i32
    %ne3A_24 = arith.cmpi ne, %arg0, %ne3A : i32
    %convert_element_type3A_25 = arith.extui %ne3A_24 : i1 to i32
    %cond3A_26 = arith.constant 0 : i32
    %cond3A_27 = arith.cmpi ne, %convert_element_type3A_25, %cond3A_26 : i32
    scf.if %cond3A_27 {
      %get3A_28 = arith.constant 0 : index
      %get3A_29 = arith.constant 0 : index
      %get3A_30 = vector.load %arg6[%get3A_28, %get3A_29] : memref<1x128xf32, #tpu.memory_space<vmem>>, vector<1x128xf32>
      %add3A_31 = arith.addf %get3A_30, %broadcast_in_dim3A_18 : vector<1x128xf32>
      %swap3A_32 = arith.constant 0 : index
      %swap3A_33 = arith.constant 0 : index
      %swap3A_34 = vector.load %arg6[%swap3A_32, %swap3A_33] : memref<1x128xf32, #tpu.memory_space<vmem>>, vector<1x128xf32>
      tpu.vector_store %arg6[%swap3A_32, %swap3A_33], %add3A_31 {strides = array<i32>} : memref<1x128xf32, #tpu.memory_space<vmem>>, vector<1x128xf32>,
      %get3A_35 = arith.constant 0 : index
      %get3A_36 = arith.constant 0 : index
      %get3A_37 = vector.load %arg7[%get3A_35, %get3A_36] : memref<1x128xf32, #tpu.memory_space<vmem>>, vector<1x128xf32>
      %add3A_38 = arith.addf %get3A_37, %broadcast_in_dim3A_21 : vector<1x128xf32>
      %swap3A_39 = arith.constant 0 : index
      %swap3A_40 = arith.constant 0 : index
      %swap3A_41 = vector.load %arg7[%swap3A_39, %swap3A_40] : memref<1x128xf32, #tpu.memory_space<vmem>>, vector<1x128xf32>
      tpu.vector_store %arg7[%swap3A_39, %swap3A_40], %add3A_38 {strides = array<i32>} : memref<1x128xf32, #tpu.memory_space<vmem>>, vector<1x128xf32>,
    } else {
    }
    return
  }
  func.func @transform_0(%arg0: i32) -> (i32, i32) {
    %c0_i32 = arith.constant 0 : i32
    %c0_i32_0 = arith.constant 0 : i32
    return %arg0, %c0_i32 : i32, i32
  }
  func.func @transform_1(%arg0: i32) -> (i32, i32) {
    %c0_i32 = arith.constant 0 : i32
    %c0_i32_0 = arith.constant 0 : i32
    return %arg0, %c0_i32 : i32, i32
  }
  func.func @transform_2(%arg0: i32) -> (i32, i32) {
    %c0_i32 = arith.constant 0 : i32
    %c0_i32_0 = arith.constant 0 : i32
    %c0_i32_1 = arith.constant 0 : i32
    return %c0_i32, %c0_i32_0 : i32, i32
  }
  func.func @transform_3(%arg0: i32) -> (i32, i32) {
    %c0_i32 = arith.constant 0 : i32
    %c0_i32_0 = arith.constant 0 : i32
    %c0_i32_1 = arith.constant 0 : i32
    return %c0_i32, %c0_i32_0 : i32, i32
  }
  func.func @transform_4(%arg0: i32) -> (i32, i32) {
    %c0_i32 = arith.constant 0 : i32
    %c0_i32_0 = arith.constant 0 : i32
    return %arg0, %c0_i32 : i32, i32
  }
  func.func @transform_5(%arg0: i32) -> (i32, i32) {
    %c0_i32 = arith.constant 0 : i32
    %c0_i32_0 = arith.constant 0 : i32
    %c0_i32_1 = arith.constant 0 : i32
    return %c0_i32, %c0_i32_0 : i32, i32
  }
  func.func @transform_6(%arg0: i32) -> (i32, i32) {
    %c0_i32 = arith.constant 0 : i32
    %c0_i32_0 = arith.constant 0 : i32
    %c0_i32_1 = arith.constant 0 : i32
    return %c0_i32, %c0_i32_0 : i32, i32
  }
}

module attributes {stable_mosaic.version = 14 : i64} {
  func.func @_mlp_mid_body(%arg0: i32, %arg1: memref<8192x128xf32, #tpu.memory_space<vmem>>, %arg2: memref<1x128xf32, #tpu.memory_space<vmem>>, %arg3: memref<1x128xf32, #tpu.memory_space<vmem>>, %arg4: memref<1x128xf32, #tpu.memory_space<vmem>>, %arg5: memref<1x128xf32, #tpu.memory_space<vmem>>, %arg6: memref<128x128xf32, #tpu.memory_space<vmem>>, %arg7: memref<1x128xf32, #tpu.memory_space<vmem>>, %arg8: memref<8192x128xf32, #tpu.memory_space<vmem>>, %arg9: memref<1x128xf32, #tpu.memory_space<vmem>>, %arg10: memref<1x128xf32, #tpu.memory_space<vmem>>) attributes {dimension_semantics = [#tpu.dimension_semantics<arbitrary>], iteration_bounds = array<i64: 32>, scalar_prefetch = 0 : i64, scratch_operands = 0 : i64, tpu.core_type = #tpu.core_type<tc>, window_params = [{transform_indices = @transform_0, window_bounds = array<i64: 8192, 128>}, {pipeline_mode = #tpu.pipeline_mode<synchronous>, transform_indices = @transform_1, window_bounds = array<i64: 1, 128>}, {pipeline_mode = #tpu.pipeline_mode<synchronous>, transform_indices = @transform_2, window_bounds = array<i64: 1, 128>}, {pipeline_mode = #tpu.pipeline_mode<synchronous>, transform_indices = @transform_3, window_bounds = array<i64: 1, 128>}, {pipeline_mode = #tpu.pipeline_mode<synchronous>, transform_indices = @transform_4, window_bounds = array<i64: 1, 128>}, {pipeline_mode = #tpu.pipeline_mode<synchronous>, transform_indices = @transform_5, window_bounds = array<i64: 128, 128>}, {pipeline_mode = #tpu.pipeline_mode<synchronous>, transform_indices = @transform_6, window_bounds = array<i64: 1, 128>}, {transform_indices = @transform_7, window_bounds = array<i64: 8192, 128>}, {pipeline_mode = #tpu.pipeline_mode<synchronous>, transform_indices = @transform_8, window_bounds = array<i64: 1, 128>}, {pipeline_mode = #tpu.pipeline_mode<synchronous>, transform_indices = @transform_9, window_bounds = array<i64: 1, 128>}]} {
    %get3A = arith.constant 0 : index
    %get3A_0 = arith.constant 0 : index
    %get3A_1 = vector.load %arg1[%get3A, %get3A_0] : memref<8192x128xf32, #tpu.memory_space<vmem>>, vector<8192x128xf32>
    %get3A_2 = arith.constant 0 : index
    %get3A_3 = arith.constant 0 : index
    %get3A_4 = vector.load %arg2[%get3A_2, %get3A_3] : memref<1x128xf32, #tpu.memory_space<vmem>>, vector<1x128xf32>
    %div3A = arith.constant 2.621440e+05 : f32
    %div3A_5 = vector.broadcast %div3A : f32 to vector<1x128xf32>
    %div3A_6 = arith.divf %get3A_4, %div3A_5 : vector<1x128xf32>
    %get3A_7 = arith.constant 0 : index
    %get3A_8 = arith.constant 0 : index
    %get3A_9 = vector.load %arg3[%get3A_7, %get3A_8] : memref<1x128xf32, #tpu.memory_space<vmem>>, vector<1x128xf32>
    %div3A_10 = arith.constant 2.621440e+05 : f32
    %div3A_11 = vector.broadcast %div3A_10 : f32 to vector<1x128xf32>
    %div3A_12 = arith.divf %get3A_9, %div3A_11 : vector<1x128xf32>
    %mul3A = arith.mulf %div3A_6, %div3A_6 : vector<1x128xf32>
    %sub3A = arith.subf %div3A_12, %mul3A : vector<1x128xf32>
    %sub3A_13 = vector.broadcast %div3A_6 : vector<1x128xf32> to vector<8192x128xf32>
    %sub3A_14 = arith.subf %get3A_1, %sub3A_13 : vector<8192x128xf32>
    %add3A = arith.constant 9.99999974E-6 : f32
    %add3A_15 = vector.broadcast %add3A : f32 to vector<1x128xf32>
    %add3A_16 = arith.addf %sub3A, %add3A_15 : vector<1x128xf32>
    %sqrt3A = math.sqrt %add3A_16 : vector<1x128xf32>
    %div3A_17 = vector.broadcast %sqrt3A : vector<1x128xf32> to vector<8192x128xf32>
    %div3A_18 = arith.divf %sub3A_14, %div3A_17 : vector<8192x128xf32>
    %get3A_19 = arith.constant 0 : index
    %get3A_20 = arith.constant 0 : index
    %get3A_21 = vector.load %arg4[%get3A_19, %get3A_20] : memref<1x128xf32, #tpu.memory_space<vmem>>, vector<1x128xf32>
    %mul3A_22 = vector.broadcast %get3A_21 : vector<1x128xf32> to vector<8192x128xf32>
    %mul3A_23 = arith.mulf %div3A_18, %mul3A_22 : vector<8192x128xf32>
    %get3A_24 = arith.constant 0 : index
    %get3A_25 = arith.constant 0 : index
    %get3A_26 = vector.load %arg5[%get3A_24, %get3A_25] : memref<1x128xf32, #tpu.memory_space<vmem>>, vector<1x128xf32>
    %add3A_27 = vector.broadcast %get3A_26 : vector<1x128xf32> to vector<8192x128xf32>
    %add3A_28 = arith.addf %mul3A_23, %add3A_27 : vector<8192x128xf32>
    %max3A = arith.constant 0.000000e+00 : f32
    %max3A_29 = vector.broadcast %max3A : f32 to vector<8192x128xf32>
    %max3A_30 = arith.maximumf %add3A_28, %max3A_29 : vector<8192x128xf32>
    %get3A_31 = arith.constant 0 : index
    %get3A_32 = arith.constant 0 : index
    %get3A_33 = vector.load %arg6[%get3A_31, %get3A_32] : memref<128x128xf32, #tpu.memory_space<vmem>>, vector<128x128xf32>
    %dot_general3A = arith.constant dense<0.000000e+00> : vector<8192x128xf32>
    %dot_general3A_34 = tpu.matmul %max3A_30, %get3A_33, %dot_general3A {dimension_numbers = #tpu.dot_dimension_numbers<[1], [0], [0], [1], [0, 0, 1, 1], [], []>, transpose_lhs_hint = false} : vector<8192x128xf32>, vector<128x128xf32>, vector<8192x128xf32> -> vector<8192x128xf32>
    %get3A_35 = arith.constant 0 : index
    %get3A_36 = arith.constant 0 : index
    %get3A_37 = vector.load %arg7[%get3A_35, %get3A_36] : memref<1x128xf32, #tpu.memory_space<vmem>>, vector<1x128xf32>
    %add3A_38 = vector.broadcast %get3A_37 : vector<1x128xf32> to vector<8192x128xf32>
    %add3A_39 = arith.addf %dot_general3A_34, %add3A_38 : vector<8192x128xf32>
    %swap3A = arith.constant 0 : index
    %swap3A_40 = arith.constant 0 : index
    %swap3A_41 = vector.load %arg8[%swap3A, %swap3A_40] : memref<8192x128xf32, #tpu.memory_space<vmem>>, vector<8192x128xf32>
    tpu.vector_store %arg8[%swap3A, %swap3A_40], %add3A_39 {strides = array<i32>} : memref<8192x128xf32, #tpu.memory_space<vmem>>, vector<8192x128xf32>,
    %reduce_sum3A = arith.constant dense<0.000000e+00> : vector<128xf32>
    %reduce_sum3A_42 = vector.multi_reduction <add>, %add3A_39, %reduce_sum3A [0] : vector<8192x128xf32> to vector<128xf32>
    %broadcast_in_dim3A = vector.shape_cast %reduce_sum3A_42 : vector<128xf32> to vector<1x128xf32>
    %mul3A_43 = arith.mulf %add3A_39, %add3A_39 : vector<8192x128xf32>
    %reduce_sum3A_44 = arith.constant dense<0.000000e+00> : vector<128xf32>
    %reduce_sum3A_45 = vector.multi_reduction <add>, %mul3A_43, %reduce_sum3A_44 [0] : vector<8192x128xf32> to vector<128xf32>
    %broadcast_in_dim3A_46 = vector.shape_cast %reduce_sum3A_45 : vector<128xf32> to vector<1x128xf32>
    %eq3A = arith.constant 0 : i32
    %eq3A_47 = arith.cmpi eq, %arg0, %eq3A : i32
    %convert_element_type3A = arith.extui %eq3A_47 : i1 to i32
    %cond3A = arith.constant 0 : i32
    %cond3A_48 = arith.cmpi ne, %convert_element_type3A, %cond3A : i32
    scf.if %cond3A_48 {
      %swap3A_53 = arith.constant 0 : index
      %swap3A_54 = arith.constant 0 : index
      %swap3A_55 = vector.load %arg9[%swap3A_53, %swap3A_54] : memref<1x128xf32, #tpu.memory_space<vmem>>, vector<1x128xf32>
      tpu.vector_store %arg9[%swap3A_53, %swap3A_54], %broadcast_in_dim3A {strides = array<i32>} : memref<1x128xf32, #tpu.memory_space<vmem>>, vector<1x128xf32>,
      %swap3A_56 = arith.constant 0 : index
      %swap3A_57 = arith.constant 0 : index
      %swap3A_58 = vector.load %arg10[%swap3A_56, %swap3A_57] : memref<1x128xf32, #tpu.memory_space<vmem>>, vector<1x128xf32>
      tpu.vector_store %arg10[%swap3A_56, %swap3A_57], %broadcast_in_dim3A_46 {strides = array<i32>} : memref<1x128xf32, #tpu.memory_space<vmem>>, vector<1x128xf32>,
    } else {
    }
    %ne3A = arith.constant 0 : i32
    %ne3A_49 = arith.cmpi ne, %arg0, %ne3A : i32
    %convert_element_type3A_50 = arith.extui %ne3A_49 : i1 to i32
    %cond3A_51 = arith.constant 0 : i32
    %cond3A_52 = arith.cmpi ne, %convert_element_type3A_50, %cond3A_51 : i32
    scf.if %cond3A_52 {
      %get3A_53 = arith.constant 0 : index
      %get3A_54 = arith.constant 0 : index
      %get3A_55 = vector.load %arg9[%get3A_53, %get3A_54] : memref<1x128xf32, #tpu.memory_space<vmem>>, vector<1x128xf32>
      %add3A_56 = arith.addf %get3A_55, %broadcast_in_dim3A : vector<1x128xf32>
      %swap3A_57 = arith.constant 0 : index
      %swap3A_58 = arith.constant 0 : index
      %swap3A_59 = vector.load %arg9[%swap3A_57, %swap3A_58] : memref<1x128xf32, #tpu.memory_space<vmem>>, vector<1x128xf32>
      tpu.vector_store %arg9[%swap3A_57, %swap3A_58], %add3A_56 {strides = array<i32>} : memref<1x128xf32, #tpu.memory_space<vmem>>, vector<1x128xf32>,
      %get3A_60 = arith.constant 0 : index
      %get3A_61 = arith.constant 0 : index
      %get3A_62 = vector.load %arg10[%get3A_60, %get3A_61] : memref<1x128xf32, #tpu.memory_space<vmem>>, vector<1x128xf32>
      %add3A_63 = arith.addf %get3A_62, %broadcast_in_dim3A_46 : vector<1x128xf32>
      %swap3A_64 = arith.constant 0 : index
      %swap3A_65 = arith.constant 0 : index
      %swap3A_66 = vector.load %arg10[%swap3A_64, %swap3A_65] : memref<1x128xf32, #tpu.memory_space<vmem>>, vector<1x128xf32>
      tpu.vector_store %arg10[%swap3A_64, %swap3A_65], %add3A_63 {strides = array<i32>} : memref<1x128xf32, #tpu.memory_space<vmem>>, vector<1x128xf32>,
    } else {
    }
    return
  }
  func.func @transform_0(%arg0: i32) -> (i32, i32) {
    %c0_i32 = arith.constant 0 : i32
    %c0_i32_0 = arith.constant 0 : i32
    return %arg0, %c0_i32 : i32, i32
  }
  func.func @transform_1(%arg0: i32) -> (i32, i32) {
    %c0_i32 = arith.constant 0 : i32
    %c0_i32_0 = arith.constant 0 : i32
    %c0_i32_1 = arith.constant 0 : i32
    return %c0_i32, %c0_i32_0 : i32, i32
  }
  func.func @transform_2(%arg0: i32) -> (i32, i32) {
    %c0_i32 = arith.constant 0 : i32
    %c0_i32_0 = arith.constant 0 : i32
    %c0_i32_1 = arith.constant 0 : i32
    return %c0_i32, %c0_i32_0 : i32, i32
  }
  func.func @transform_3(%arg0: i32) -> (i32, i32) {
    %c0_i32 = arith.constant 0 : i32
    %c0_i32_0 = arith.constant 0 : i32
    %c0_i32_1 = arith.constant 0 : i32
    return %c0_i32, %c0_i32_0 : i32, i32
  }
  func.func @transform_4(%arg0: i32) -> (i32, i32) {
    %c0_i32 = arith.constant 0 : i32
    %c0_i32_0 = arith.constant 0 : i32
    %c0_i32_1 = arith.constant 0 : i32
    return %c0_i32, %c0_i32_0 : i32, i32
  }
  func.func @transform_5(%arg0: i32) -> (i32, i32) {
    %c0_i32 = arith.constant 0 : i32
    %c0_i32_0 = arith.constant 0 : i32
    %c0_i32_1 = arith.constant 0 : i32
    return %c0_i32, %c0_i32_0 : i32, i32
  }
  func.func @transform_6(%arg0: i32) -> (i32, i32) {
    %c0_i32 = arith.constant 0 : i32
    %c0_i32_0 = arith.constant 0 : i32
    %c0_i32_1 = arith.constant 0 : i32
    return %c0_i32, %c0_i32_0 : i32, i32
  }
  func.func @transform_7(%arg0: i32) -> (i32, i32) {
    %c0_i32 = arith.constant 0 : i32
    %c0_i32_0 = arith.constant 0 : i32
    return %arg0, %c0_i32 : i32, i32
  }
  func.func @transform_8(%arg0: i32) -> (i32, i32) {
    %c0_i32 = arith.constant 0 : i32
    %c0_i32_0 = arith.constant 0 : i32
    %c0_i32_1 = arith.constant 0 : i32
    return %c0_i32, %c0_i32_0 : i32, i32
  }
  func.func @transform_9(%arg0: i32) -> (i32, i32) {
    %c0_i32 = arith.constant 0 : i32
    %c0_i32_0 = arith.constant 0 : i32
    %c0_i32_1 = arith.constant 0 : i32
    return %c0_i32, %c0_i32_0 : i32, i32
  }
}

module attributes {stable_mosaic.version = 14 : i64} {
  func.func @_mlp2_body(%arg0: i32, %arg1: memref<8192x128xf32, #tpu.memory_space<vmem>>, %arg2: memref<1x128xf32, #tpu.memory_space<vmem>>, %arg3: memref<1x128xf32, #tpu.memory_space<vmem>>, %arg4: memref<1x128xf32, #tpu.memory_space<vmem>>, %arg5: memref<1x128xf32, #tpu.memory_space<vmem>>, %arg6: memref<128x256xf32, #tpu.memory_space<vmem>>, %arg7: memref<1x256xf32, #tpu.memory_space<vmem>>, %arg8: memref<256x256xf32, #tpu.memory_space<vmem>>, %arg9: memref<256x256xf32, #tpu.memory_space<vmem>>, %arg10: memref<1x256xf32, #tpu.memory_space<vmem>>, %arg11: memref<1x256xf32, #tpu.memory_space<vmem>>) attributes {dimension_semantics = [#tpu.dimension_semantics<arbitrary>], iteration_bounds = array<i64: 32>, scalar_prefetch = 0 : i64, scratch_operands = 0 : i64, tpu.core_type = #tpu.core_type<tc>, window_params = [{transform_indices = @transform_0, window_bounds = array<i64: 8192, 128>}, {pipeline_mode = #tpu.pipeline_mode<synchronous>, transform_indices = @transform_1, window_bounds = array<i64: 1, 128>}, {pipeline_mode = #tpu.pipeline_mode<synchronous>, transform_indices = @transform_2, window_bounds = array<i64: 1, 128>}, {pipeline_mode = #tpu.pipeline_mode<synchronous>, transform_indices = @transform_3, window_bounds = array<i64: 1, 128>}, {pipeline_mode = #tpu.pipeline_mode<synchronous>, transform_indices = @transform_4, window_bounds = array<i64: 1, 128>}, {pipeline_mode = #tpu.pipeline_mode<synchronous>, transform_indices = @transform_5, window_bounds = array<i64: 128, 256>}, {pipeline_mode = #tpu.pipeline_mode<synchronous>, transform_indices = @transform_6, window_bounds = array<i64: 1, 256>}, {transform_indices = @transform_7, window_bounds = array<i64: 256, 256>}, {transform_indices = @transform_8, window_bounds = array<i64: 256, 256>}, {pipeline_mode = #tpu.pipeline_mode<synchronous>, transform_indices = @transform_9, window_bounds = array<i64: 1, 256>}, {pipeline_mode = #tpu.pipeline_mode<synchronous>, transform_indices = @transform_10, window_bounds = array<i64: 1, 256>}]} {
    %get3A = arith.constant 0 : index
    %get3A_0 = arith.constant 0 : index
    %get3A_1 = vector.load %arg1[%get3A, %get3A_0] : memref<8192x128xf32, #tpu.memory_space<vmem>>, vector<8192x128xf32>
    %get3A_2 = arith.constant 0 : index
    %get3A_3 = arith.constant 0 : index
    %get3A_4 = vector.load %arg2[%get3A_2, %get3A_3] : memref<1x128xf32, #tpu.memory_space<vmem>>, vector<1x128xf32>
    %div3A = arith.constant 2.621440e+05 : f32
    %div3A_5 = vector.broadcast %div3A : f32 to vector<1x128xf32>
    %div3A_6 = arith.divf %get3A_4, %div3A_5 : vector<1x128xf32>
    %get3A_7 = arith.constant 0 : index
    %get3A_8 = arith.constant 0 : index
    %get3A_9 = vector.load %arg3[%get3A_7, %get3A_8] : memref<1x128xf32, #tpu.memory_space<vmem>>, vector<1x128xf32>
    %div3A_10 = arith.constant 2.621440e+05 : f32
    %div3A_11 = vector.broadcast %div3A_10 : f32 to vector<1x128xf32>
    %div3A_12 = arith.divf %get3A_9, %div3A_11 : vector<1x128xf32>
    %mul3A = arith.mulf %div3A_6, %div3A_6 : vector<1x128xf32>
    %sub3A = arith.subf %div3A_12, %mul3A : vector<1x128xf32>
    %sub3A_13 = vector.broadcast %div3A_6 : vector<1x128xf32> to vector<8192x128xf32>
    %sub3A_14 = arith.subf %get3A_1, %sub3A_13 : vector<8192x128xf32>
    %add3A = arith.constant 9.99999974E-6 : f32
    %add3A_15 = vector.broadcast %add3A : f32 to vector<1x128xf32>
    %add3A_16 = arith.addf %sub3A, %add3A_15 : vector<1x128xf32>
    %sqrt3A = math.sqrt %add3A_16 : vector<1x128xf32>
    %div3A_17 = vector.broadcast %sqrt3A : vector<1x128xf32> to vector<8192x128xf32>
    %div3A_18 = arith.divf %sub3A_14, %div3A_17 : vector<8192x128xf32>
    %get3A_19 = arith.constant 0 : index
    %get3A_20 = arith.constant 0 : index
    %get3A_21 = vector.load %arg4[%get3A_19, %get3A_20] : memref<1x128xf32, #tpu.memory_space<vmem>>, vector<1x128xf32>
    %mul3A_22 = vector.broadcast %get3A_21 : vector<1x128xf32> to vector<8192x128xf32>
    %mul3A_23 = arith.mulf %div3A_18, %mul3A_22 : vector<8192x128xf32>
    %get3A_24 = arith.constant 0 : index
    %get3A_25 = arith.constant 0 : index
    %get3A_26 = vector.load %arg5[%get3A_24, %get3A_25] : memref<1x128xf32, #tpu.memory_space<vmem>>, vector<1x128xf32>
    %add3A_27 = vector.broadcast %get3A_26 : vector<1x128xf32> to vector<8192x128xf32>
    %add3A_28 = arith.addf %mul3A_23, %add3A_27 : vector<8192x128xf32>
    %max3A = arith.constant 0.000000e+00 : f32
    %max3A_29 = vector.broadcast %max3A : f32 to vector<8192x128xf32>
    %max3A_30 = arith.maximumf %add3A_28, %max3A_29 : vector<8192x128xf32>
    %get3A_31 = arith.constant 0 : index
    %get3A_32 = arith.constant 0 : index
    %get3A_33 = vector.load %arg6[%get3A_31, %get3A_32] : memref<128x256xf32, #tpu.memory_space<vmem>>, vector<128x256xf32>
    %dot_general3A = arith.constant dense<0.000000e+00> : vector<8192x256xf32>
    %dot_general3A_34 = tpu.matmul %max3A_30, %get3A_33, %dot_general3A {dimension_numbers = #tpu.dot_dimension_numbers<[1], [0], [0], [1], [0, 0, 1, 1], [], []>, transpose_lhs_hint = false} : vector<8192x128xf32>, vector<128x256xf32>, vector<8192x256xf32> -> vector<8192x256xf32>
    %get3A_35 = arith.constant 0 : index
    %get3A_36 = arith.constant 0 : index
    %get3A_37 = vector.load %arg7[%get3A_35, %get3A_36] : memref<1x256xf32, #tpu.memory_space<vmem>>, vector<1x256xf32>
    %add3A_38 = vector.broadcast %get3A_37 : vector<1x256xf32> to vector<8192x256xf32>
    %add3A_39 = arith.addf %dot_general3A_34, %add3A_38 : vector<8192x256xf32>
    %reduce_sum3A = arith.constant dense<0.000000e+00> : vector<256xf32>
    %reduce_sum3A_40 = vector.multi_reduction <add>, %add3A_39, %reduce_sum3A [0] : vector<8192x256xf32> to vector<256xf32>
    %broadcast_in_dim3A = vector.shape_cast %reduce_sum3A_40 : vector<256xf32> to vector<1x256xf32>
    %mul3A_41 = arith.mulf %add3A_39, %add3A_39 : vector<8192x256xf32>
    %reduce_sum3A_42 = arith.constant dense<0.000000e+00> : vector<256xf32>
    %reduce_sum3A_43 = vector.multi_reduction <add>, %mul3A_41, %reduce_sum3A_42 [0] : vector<8192x256xf32> to vector<256xf32>
    %broadcast_in_dim3A_44 = vector.shape_cast %reduce_sum3A_43 : vector<256xf32> to vector<1x256xf32>
    %eq3A = arith.constant 0 : i32
    %eq3A_45 = arith.cmpi eq, %arg0, %eq3A : i32
    %convert_element_type3A = arith.extui %eq3A_45 : i1 to i32
    %cond3A = arith.constant 0 : i32
    %cond3A_46 = arith.cmpi ne, %convert_element_type3A, %cond3A : i32
    scf.if %cond3A_46 {
      %swap3A_58 = arith.constant 0 : index
      %swap3A_59 = arith.constant 0 : index
      %swap3A_60 = vector.load %arg10[%swap3A_58, %swap3A_59] : memref<1x256xf32, #tpu.memory_space<vmem>>, vector<1x256xf32>
      tpu.vector_store %arg10[%swap3A_58, %swap3A_59], %broadcast_in_dim3A {strides = array<i32>} : memref<1x256xf32, #tpu.memory_space<vmem>>, vector<1x256xf32>,
      %swap3A_61 = arith.constant 0 : index
      %swap3A_62 = arith.constant 0 : index
      %swap3A_63 = vector.load %arg11[%swap3A_61, %swap3A_62] : memref<1x256xf32, #tpu.memory_space<vmem>>, vector<1x256xf32>
      tpu.vector_store %arg11[%swap3A_61, %swap3A_62], %broadcast_in_dim3A_44 {strides = array<i32>} : memref<1x256xf32, #tpu.memory_space<vmem>>, vector<1x256xf32>,
    } else {
    }
    %ne3A = arith.constant 0 : i32
    %ne3A_47 = arith.cmpi ne, %arg0, %ne3A : i32
    %convert_element_type3A_48 = arith.extui %ne3A_47 : i1 to i32
    %cond3A_49 = arith.constant 0 : i32
    %cond3A_50 = arith.cmpi ne, %convert_element_type3A_48, %cond3A_49 : i32
    scf.if %cond3A_50 {
      %get3A_58 = arith.constant 0 : index
      %get3A_59 = arith.constant 0 : index
      %get3A_60 = vector.load %arg10[%get3A_58, %get3A_59] : memref<1x256xf32, #tpu.memory_space<vmem>>, vector<1x256xf32>
      %add3A_61 = arith.addf %get3A_60, %broadcast_in_dim3A : vector<1x256xf32>
      %swap3A_62 = arith.constant 0 : index
      %swap3A_63 = arith.constant 0 : index
      %swap3A_64 = vector.load %arg10[%swap3A_62, %swap3A_63] : memref<1x256xf32, #tpu.memory_space<vmem>>, vector<1x256xf32>
      tpu.vector_store %arg10[%swap3A_62, %swap3A_63], %add3A_61 {strides = array<i32>} : memref<1x256xf32, #tpu.memory_space<vmem>>, vector<1x256xf32>,
      %get3A_65 = arith.constant 0 : index
      %get3A_66 = arith.constant 0 : index
      %get3A_67 = vector.load %arg11[%get3A_65, %get3A_66] : memref<1x256xf32, #tpu.memory_space<vmem>>, vector<1x256xf32>
      %add3A_68 = arith.addf %get3A_67, %broadcast_in_dim3A_44 : vector<1x256xf32>
      %swap3A_69 = arith.constant 0 : index
      %swap3A_70 = arith.constant 0 : index
      %swap3A_71 = vector.load %arg11[%swap3A_69, %swap3A_70] : memref<1x256xf32, #tpu.memory_space<vmem>>, vector<1x256xf32>
      tpu.vector_store %arg11[%swap3A_69, %swap3A_70], %add3A_68 {strides = array<i32>} : memref<1x256xf32, #tpu.memory_space<vmem>>, vector<1x256xf32>,
    } else {
    }
    %reshape3A = vector.shape_cast %add3A_39 : vector<8192x256xf32> to vector<256x32x256xf32>
    %reduce_max3A = arith.constant dense<0xFF800000> : vector<256x256xf32>
    %reduce_max3A_51 = vector.multi_reduction <maximumf>, %reshape3A, %reduce_max3A [1] : vector<256x32x256xf32> to vector<256x256xf32>
    %swap3A = arith.constant 0 : index
    %swap3A_52 = arith.constant 0 : index
    %swap3A_53 = vector.load %arg8[%swap3A, %swap3A_52] : memref<256x256xf32, #tpu.memory_space<vmem>>, vector<256x256xf32>
    tpu.vector_store %arg8[%swap3A, %swap3A_52], %reduce_max3A_51 {strides = array<i32>} : memref<256x256xf32, #tpu.memory_space<vmem>>, vector<256x256xf32>,
    %reduce_min3A = arith.constant dense<0x7F800000> : vector<256x256xf32>
    %reduce_min3A_54 = vector.multi_reduction <minimumf>, %reshape3A, %reduce_min3A [1] : vector<256x32x256xf32> to vector<256x256xf32>
    %swap3A_55 = arith.constant 0 : index
    %swap3A_56 = arith.constant 0 : index
    %swap3A_57 = vector.load %arg9[%swap3A_55, %swap3A_56] : memref<256x256xf32, #tpu.memory_space<vmem>>, vector<256x256xf32>
    tpu.vector_store %arg9[%swap3A_55, %swap3A_56], %reduce_min3A_54 {strides = array<i32>} : memref<256x256xf32, #tpu.memory_space<vmem>>, vector<256x256xf32>,
    return
  }
  func.func @transform_0(%arg0: i32) -> (i32, i32) {
    %c0_i32 = arith.constant 0 : i32
    %c0_i32_0 = arith.constant 0 : i32
    return %arg0, %c0_i32 : i32, i32
  }
  func.func @transform_1(%arg0: i32) -> (i32, i32) {
    %c0_i32 = arith.constant 0 : i32
    %c0_i32_0 = arith.constant 0 : i32
    %c0_i32_1 = arith.constant 0 : i32
    return %c0_i32, %c0_i32_0 : i32, i32
  }
  func.func @transform_2(%arg0: i32) -> (i32, i32) {
    %c0_i32 = arith.constant 0 : i32
    %c0_i32_0 = arith.constant 0 : i32
    %c0_i32_1 = arith.constant 0 : i32
    return %c0_i32, %c0_i32_0 : i32, i32
  }
  func.func @transform_3(%arg0: i32) -> (i32, i32) {
    %c0_i32 = arith.constant 0 : i32
    %c0_i32_0 = arith.constant 0 : i32
    %c0_i32_1 = arith.constant 0 : i32
    return %c0_i32, %c0_i32_0 : i32, i32
  }
  func.func @transform_4(%arg0: i32) -> (i32, i32) {
    %c0_i32 = arith.constant 0 : i32
    %c0_i32_0 = arith.constant 0 : i32
    %c0_i32_1 = arith.constant 0 : i32
    return %c0_i32, %c0_i32_0 : i32, i32
  }
  func.func @transform_5(%arg0: i32) -> (i32, i32) {
    %c0_i32 = arith.constant 0 : i32
    %c0_i32_0 = arith.constant 0 : i32
    %c0_i32_1 = arith.constant 0 : i32
    return %c0_i32, %c0_i32_0 : i32, i32
  }
  func.func @transform_6(%arg0: i32) -> (i32, i32) {
    %c0_i32 = arith.constant 0 : i32
    %c0_i32_0 = arith.constant 0 : i32
    %c0_i32_1 = arith.constant 0 : i32
    return %c0_i32, %c0_i32_0 : i32, i32
  }
  func.func @transform_7(%arg0: i32) -> (i32, i32) {
    %c0_i32 = arith.constant 0 : i32
    %c0_i32_0 = arith.constant 0 : i32
    return %arg0, %c0_i32 : i32, i32
  }
  func.func @transform_8(%arg0: i32) -> (i32, i32) {
    %c0_i32 = arith.constant 0 : i32
    %c0_i32_0 = arith.constant 0 : i32
    return %arg0, %c0_i32 : i32, i32
  }
  func.func @transform_9(%arg0: i32) -> (i32, i32) {
    %c0_i32 = arith.constant 0 : i32
    %c0_i32_0 = arith.constant 0 : i32
    %c0_i32_1 = arith.constant 0 : i32
    return %c0_i32, %c0_i32_0 : i32, i32
  }
  func.func @transform_10(%arg0: i32) -> (i32, i32) {
    %c0_i32 = arith.constant 0 : i32
    %c0_i32_0 = arith.constant 0 : i32
    %c0_i32_1 = arith.constant 0 : i32
    return %c0_i32, %c0_i32_0 : i32, i32
  }
}

module attributes {stable_mosaic.version = 14 : i64} {
  func.func @_fin_body(%arg0: i32, %arg1: memref<2048x256xf32, #tpu.memory_space<vmem>>, %arg2: memref<2048x256xf32, #tpu.memory_space<vmem>>, %arg3: memref<1x256xf32, #tpu.memory_space<vmem>>, %arg4: memref<1x256xf32, #tpu.memory_space<vmem>>, %arg5: memref<1x256xf32, #tpu.memory_space<vmem>>, %arg6: memref<1x256xf32, #tpu.memory_space<vmem>>, %arg7: memref<2048x256xf32, #tpu.memory_space<vmem>>) attributes {dimension_semantics = [#tpu.dimension_semantics<arbitrary>], iteration_bounds = array<i64: 4>, scalar_prefetch = 0 : i64, scratch_operands = 0 : i64, tpu.core_type = #tpu.core_type<tc>, window_params = [{transform_indices = @transform_0, window_bounds = array<i64: 2048, 256>}, {transform_indices = @transform_1, window_bounds = array<i64: 2048, 256>}, {pipeline_mode = #tpu.pipeline_mode<synchronous>, transform_indices = @transform_2, window_bounds = array<i64: 1, 256>}, {pipeline_mode = #tpu.pipeline_mode<synchronous>, transform_indices = @transform_3, window_bounds = array<i64: 1, 256>}, {pipeline_mode = #tpu.pipeline_mode<synchronous>, transform_indices = @transform_4, window_bounds = array<i64: 1, 256>}, {pipeline_mode = #tpu.pipeline_mode<synchronous>, transform_indices = @transform_5, window_bounds = array<i64: 1, 256>}, {transform_indices = @transform_6, window_bounds = array<i64: 2048, 256>}]} {
    %get3A = arith.constant 0 : index
    %get3A_0 = arith.constant 0 : index
    %get3A_1 = vector.load %arg3[%get3A, %get3A_0] : memref<1x256xf32, #tpu.memory_space<vmem>>, vector<1x256xf32>
    %div3A = arith.constant 2.621440e+05 : f32
    %div3A_2 = vector.broadcast %div3A : f32 to vector<1x256xf32>
    %div3A_3 = arith.divf %get3A_1, %div3A_2 : vector<1x256xf32>
    %get3A_4 = arith.constant 0 : index
    %get3A_5 = arith.constant 0 : index
    %get3A_6 = vector.load %arg4[%get3A_4, %get3A_5] : memref<1x256xf32, #tpu.memory_space<vmem>>, vector<1x256xf32>
    %div3A_7 = arith.constant 2.621440e+05 : f32
    %div3A_8 = vector.broadcast %div3A_7 : f32 to vector<1x256xf32>
    %div3A_9 = arith.divf %get3A_6, %div3A_8 : vector<1x256xf32>
    %mul3A = arith.mulf %div3A_3, %div3A_3 : vector<1x256xf32>
    %sub3A = arith.subf %div3A_9, %mul3A : vector<1x256xf32>
    %get3A_10 = arith.constant 0 : index
    %get3A_11 = arith.constant 0 : index
    %get3A_12 = vector.load %arg5[%get3A_10, %get3A_11] : memref<1x256xf32, #tpu.memory_space<vmem>>, vector<1x256xf32>
    %ge3A = arith.constant 0.000000e+00 : f32
    %ge3A_13 = vector.broadcast %ge3A : f32 to vector<1x256xf32>
    %ge3A_14 = arith.cmpf oge, %get3A_12, %ge3A_13 : vector<1x256xf32>
    %get3A_15 = arith.constant 0 : index
    %get3A_16 = arith.constant 0 : index
    %get3A_17 = vector.load %arg1[%get3A_15, %get3A_16] : memref<2048x256xf32, #tpu.memory_space<vmem>>, vector<2048x256xf32>
    %get3A_18 = arith.constant 0 : index
    %get3A_19 = arith.constant 0 : index
    %get3A_20 = vector.load %arg2[%get3A_18, %get3A_19] : memref<2048x256xf32, #tpu.memory_space<vmem>>, vector<2048x256xf32>
    %broadcast_in_dim3A = vector.shape_cast %ge3A_14 : vector<1x256xi1> to vector<1x256xi1>
    %broadcast_in_dim3A_21 = vector.broadcast %broadcast_in_dim3A : vector<1x256xi1> to vector<2048x256xi1>
    %select_n3A = arith.select %broadcast_in_dim3A_21, %get3A_17, %get3A_20 : vector<2048x256xi1>, vector<2048x256xf32>
    %sub3A_22 = vector.broadcast %div3A_3 : vector<1x256xf32> to vector<2048x256xf32>
    %sub3A_23 = arith.subf %select_n3A, %sub3A_22 : vector<2048x256xf32>
    %add3A = arith.constant 9.99999974E-6 : f32
    %add3A_24 = vector.broadcast %add3A : f32 to vector<1x256xf32>
    %add3A_25 = arith.addf %sub3A, %add3A_24 : vector<1x256xf32>
    %sqrt3A = math.sqrt %add3A_25 : vector<1x256xf32>
    %div3A_26 = vector.broadcast %sqrt3A : vector<1x256xf32> to vector<2048x256xf32>
    %div3A_27 = arith.divf %sub3A_23, %div3A_26 : vector<2048x256xf32>
    %mul3A_28 = vector.broadcast %get3A_12 : vector<1x256xf32> to vector<2048x256xf32>
    %mul3A_29 = arith.mulf %div3A_27, %mul3A_28 : vector<2048x256xf32>
    %get3A_30 = arith.constant 0 : index
    %get3A_31 = arith.constant 0 : index
    %get3A_32 = vector.load %arg6[%get3A_30, %get3A_31] : memref<1x256xf32, #tpu.memory_space<vmem>>, vector<1x256xf32>
    %add3A_33 = vector.broadcast %get3A_32 : vector<1x256xf32> to vector<2048x256xf32>
    %add3A_34 = arith.addf %mul3A_29, %add3A_33 : vector<2048x256xf32>
    %max3A = arith.constant 0.000000e+00 : f32
    %max3A_35 = vector.broadcast %max3A : f32 to vector<2048x256xf32>
    %max3A_36 = arith.maximumf %add3A_34, %max3A_35 : vector<2048x256xf32>
    %swap3A = arith.constant 0 : index
    %swap3A_37 = arith.constant 0 : index
    %swap3A_38 = vector.load %arg7[%swap3A, %swap3A_37] : memref<2048x256xf32, #tpu.memory_space<vmem>>, vector<2048x256xf32>
    tpu.vector_store %arg7[%swap3A, %swap3A_37], %max3A_36 {strides = array<i32>} : memref<2048x256xf32, #tpu.memory_space<vmem>>, vector<2048x256xf32>,
    return
  }
  func.func @transform_0(%arg0: i32) -> (i32, i32) {
    %c0_i32 = arith.constant 0 : i32
    %c0_i32_0 = arith.constant 0 : i32
    return %arg0, %c0_i32 : i32, i32
  }
  func.func @transform_1(%arg0: i32) -> (i32, i32) {
    %c0_i32 = arith.constant 0 : i32
    %c0_i32_0 = arith.constant 0 : i32
    return %arg0, %c0_i32 : i32, i32
  }
  func.func @transform_2(%arg0: i32) -> (i32, i32) {
    %c0_i32 = arith.constant 0 : i32
    %c0_i32_0 = arith.constant 0 : i32
    %c0_i32_1 = arith.constant 0 : i32
    return %c0_i32, %c0_i32_0 : i32, i32
  }
  func.func @transform_3(%arg0: i32) -> (i32, i32) {
    %c0_i32 = arith.constant 0 : i32
    %c0_i32_0 = arith.constant 0 : i32
    %c0_i32_1 = arith.constant 0 : i32
    return %c0_i32, %c0_i32_0 : i32, i32
  }
  func.func @transform_4(%arg0: i32) -> (i32, i32) {
    %c0_i32 = arith.constant 0 : i32
    %c0_i32_0 = arith.constant 0 : i32
    %c0_i32_1 = arith.constant 0 : i32
    return %c0_i32, %c0_i32_0 : i32, i32
  }
  func.func @transform_5(%arg0: i32) -> (i32, i32) {
    %c0_i32 = arith.constant 0 : i32
    %c0_i32_0 = arith.constant 0 : i32
    %c0_i32_1 = arith.constant 0 : i32
    return %c0_i32, %c0_i32_0 : i32, i32
  }
  func.func @transform_6(%arg0: i32) -> (i32, i32) {
    %c0_i32 = arith.constant 0 : i32
    %c0_i32_0 = arith.constant 0 : i32
    return %arg0, %c0_i32 : i32, i32
  }
}

</mosaic_0001>

<sc_bundles>
// kernel: kernel.10.cloned.1.call-start
scs
__scs_entry_jumppad:
0x0: {  	(pc) =	sbr.rel $0x88, $3  }
0x1: {  	(tag) =	ssettag $0x0;
	lr =	simm.s32 $0x1  }
0x2: {  	[smem:$0x3F93] =	sst lr;
	_ =	strace $0xD0000000  }
0x3: {  	_ = 	snop  }
0x4: {  	_ = 	snop  }
0x5: {  	_ = 	snop  }
0x6: {  	_ = 	snop  }
0x7: {  	_ = 	snop  }
__scs_overlays_trampoline_lowered:
0x8: {  	[smem:$0x3FA2] =	sst s0  }
0x9: {  	[smem:$0x3FA3] =	sst s1  }
0xa: {  	[smem:$0x3FA4] =	sst s2  }
0xb: {  	[smem:$0x3FA5] =	sst s3  }
0xc: {  	[smem:$0x3FA6] =	sst s4  }
0xd: {  	[smem:$0x3FA7] =	sst s5  }
0xe: {  	[smem:$0x3FA8] =	sst s6  }
0xf: {  	[smem:$0x3FA9] =	sst s7  }
0x10: {  	[smem:$0x3FAA] =	sst s8  }
0x11: {  	[smem:$0x3FAB] =	sst s9;
	s0 =	simm.s32 @!p0 $0x0  }
0x12: {  	s1 =	sld [smem:$0x3F91];
	s0 =	simm.s32 @p0 $0x1  }
0x13: {  	[smem:$0x3FAC] =	sst s0;
	s0 =	simm.s32 @!p1 $0x0  }
0x14: {  	s2 =	sld [smem:$0x3F90];
	s0 =	simm.s32 @p1 $0x1  }
0x15: {  	[smem:$0x3FAD] =	sst s0;
	s0 =	simm.s32 @!p2 $0x0  }
0x16: {  	s3 =	sld [smem:$0x3FDB];
	s0 =	simm.s32 @p2 $0x1  }
0x17: {  	s4 =	simm.s32 $0x1BF5;
	[smem:$0x3FAF] =	sst s0  }
0x18: {  	s0 =	sld [smem:$0x3F92];
	_ =	swait.ge [sflag:s4], $0x0  }
0x19: {  	s7 =	sld [smem:$0x3F93]  }
0x1a: {  	s8 =	sadd.s32 $0xFFFFE003, lr  }
0x1b: {  	s9 =	sadd.s32 $0xFFFFFEF7, lr;
	s5 =	simm.s32 $0xFFFFFFFF;
	p2 =	slt.u32 s8, $0xFFFFF086  }
0x1c: {  	p1 =	slt.u32 s9, $0xF7A;
	s5 =	simm.s32 @!p2 $0x0  }
0x1d: {  	s5 =	simm.s32 @p1 $0x1;
	p0 =	seq.s32 s7, s2  }
0x1e: {  	s7 =	smul.u32 @!p0 $0xF7A, s2;
	p2 =	seq.s32 @!p0 s5, $0x0  }
0x1f: {  	s9 =	smul.u32 $0xF7A, s1;
	s8 =	simm.s32 @!p0 $0x1BF5;
	p2 =	por !p2, p0  }
0x20: {  	[sflag:s8] =	ssyncset.s32 @!p0 $0xFFFFF086;
	s6 =	sadd.s32 @!p0 s3, s7;
	s7 =	simm.s32 @!p0 $0x108  }
0x21: {  	s3 =	sadd.s32 s3, s9;
	s6 =	sadd.s32 @!p0 $0x88, s6;
	s7 =	simm.s32 @p2 $0x1082  }
0x22: {  	[simem:s7], [sflag:s8] =	dma.local @!p0 [hbm:s6], $0xF7A  }
0x23: {  	s9 =	sor.u32 $0xD0000000, s2;
	s6 =	simm.s32 $0x108;
	_ =	swait.ge @!p0 [sflag:s8], $0x0  }
0x24: {  	s3 =	sadd.s32 $0x88, s3;
	s6 =	simm.s32 @!p1 $0x1082;
	[sflag:s4] =	ssyncset.s32 $0xFFFFF086  }
0x25: {  	[simem:s6], [sflag:s4] =	dma.local [hbm:s3], $0xF7A  }
0x26: {  	[smem:$0x3F93] =	sst s1;
	(tag) =	ssettag s2;
	_ =	strace s9  }
0x27: {  	s1 =	sld [smem:$0x3FA3]  }
0x28: {  	s2 =	sld [smem:$0x3FA4]  }
0x29: {  	s4 =	sld [smem:$0x3FA6]  }
0x2a: {  	p0 =	seq.s32 s5, $0x0;
	s5 =	sld [smem:$0x3FA7]  }
0x2b: {  	s6 =	sld [smem:$0x3FA8]  }
0x2c: {  	s7 =	sld [smem:$0x3FA9]  }
0x2d: {  	s3 =	simm.s32 $0x108;
	s8 =	sld [smem:$0x3FAA]  }
0x2e: {  	s3 =	simm.s32 @!p0 $0x1082;
	s9 =	sld [smem:$0x3FAB]  }
0x2f: {  	lr =	sadd.s32 s0, s3;
	s0 =	sld [smem:$0x3FA2]  }
0x30: {  	s3 =	sld [smem:$0x3FA5]  }
0x31: {  	[smem:$0x3FAE] =	sst s10  }
0x32: {  	s10 =	sld [smem:$0x3FAC];
	_ =	sdelay $0x3  }
0x33: {  	p0 =	seq.s32 s10, $0x1;
	s10 =	sld [smem:$0x3FAE];
	_ =	sdelay $0x3  }
0x34: {  	[smem:$0x3FAE] =	sst s10  }
0x35: {  	s10 =	sld [smem:$0x3FAD];
	_ =	sdelay $0x3  }
0x36: {  	p1 =	seq.s32 s10, $0x1;
	s10 =	sld [smem:$0x3FAE];
	_ =	sdelay $0x3  }
0x37: {  	[smem:$0x3FAE] =	sst s10  }
0x38: {  	s10 =	sld [smem:$0x3FAF]  }
0x39: {  	_ = 	snop;
	(pc) =	sbr.ind lr, $3  }
0x3a: {  	_ = 	snop  }
0x3b: {  	_ = 	snop  }
0x3c: {  	p2 =	seq.s32 s10, $0x1;
	s10 =	sld [smem:$0x3FAE]  }
0x3d: {  	_ =	shalt  }
0x3e: {  	_ =	shalt  }
0x3f: {  	_ =	shalt  }
0x40: {  	_ =	shalt  }
0x41: {  	_ =	shalt  }
0x42: {  	_ =	shalt  }
0x43: {  	_ =	shalt  }
0x44: {  	_ =	shalt  }
0x45: {  	_ =	shalt  }
0x46: {  	_ =	shalt  }
0x47: {  	_ =	shalt  }
0x48: {  	_ =	shalt  }
0x49: {  	_ =	shalt  }
0x4a: {  	_ =	shalt  }
0x4b: {  	_ =	shalt  }
0x4c: {  	_ =	shalt  }
0x4d: {  	_ =	shalt  }
0x4e: {  	_ =	shalt  }
0x4f: {  	_ =	shalt  }
0x50: {  	_ =	shalt  }
0x51: {  	_ =	shalt  }
0x52: {  	_ =	shalt  }
0x53: {  	_ =	shalt  }
0x54: {  	_ =	shalt  }
0x55: {  	_ =	shalt  }
0x56: {  	_ =	shalt  }
0x57: {  	_ =	shalt  }
0x58: {  	_ =	shalt  }
0x59: {  	_ =	shalt  }
0x5a: {  	_ =	shalt  }
0x5b: {  	_ =	shalt  }
0x5c: {  	_ =	shalt  }
0x5d: {  	_ =	shalt  }
0x5e: {  	_ =	shalt  }
0x5f: {  	_ =	shalt  }
0x60: {  	_ =	shalt  }
0x61: {  	_ =	shalt  }
0x62: {  	_ =	shalt  }
0x63: {  	_ =	shalt  }
0x64: {  	_ =	shalt  }
0x65: {  	_ =	shalt  }
0x66: {  	_ =	shalt  }
0x67: {  	_ =	shalt  }
0x68: {  	_ =	shalt  }
0x69: {  	_ =	shalt  }
0x6a: {  	_ =	shalt  }
0x6b: {  	_ =	shalt  }
0x6c: {  	_ =	shalt  }
0x6d: {  	_ =	shalt  }
0x6e: {  	_ =	shalt  }
0x6f: {  	_ =	shalt  }
0x70: {  	_ =	shalt  }
0x71: {  	_ =	shalt  }
0x72: {  	_ =	shalt  }
0x73: {  	_ =	shalt  }
0x74: {  	_ =	shalt  }
0x75: {  	_ =	shalt  }
0x76: {  	_ =	shalt  }
0x77: {  	_ =	shalt  }
0x78: {  	_ =	shalt  }
0x79: {  	_ =	shalt  }
0x7a: {  	_ =	shalt  }
0x7b: {  	_ =	shalt  }
0x7c: {  	_ =	shalt  }
0x7d: {  	_ =	shalt  }
0x7e: {  	_ =	shalt  }
0x7f: {  	_ =	shalt  }
0x80: {  	_ =	shalt  }
0x81: {  	_ =	shalt  }
0x82: {  	_ =	shalt  }
0x83: {  	_ =	shalt  }
0x84: {  	_ =	shalt  }
0x85: {  	_ =	shalt  }
0x86: {  	_ =	shalt  }
0x87: {  	_ =	shalt  }
.Lfunc_end0:
.L_simem_size_0:
called_computation_lowered:
.L_overlay_start_0:
0x88: {  	s2 =	sld [smem:$0x3FD9]  }
0x89: {  	s3 =	sld [smem:$0x3FFE];
	_ =	sdelay $0x1  }
0x8a: {  	s1 =	srdreg.scid  }
0x8b: {  	s0 =	sand.u32 $0x1, s1  }
0x8c: {  	s14 =	sshll.u32 s0, $0xA;
	s2 =	sadd.s32 s3, s2  }
0x8d: {  	s2 =	sadd.s32 s2, s14  }
0x8e: {  	[smem:$0x3FBA] =	sst s2  }
0x8f: {  	_ = 	snop  }
0x90: {  	s2 =	sld [smem:$0x3FD0];
	_ =	sdelay $0x2  }
0x91: {  	s15 =	simm.s32 $0xA;
	s4 =	simm.s32 $0x10  }
0x92: {  	[smem:s4], [sflag:s15] =	dma.local [hbm:s2], $0x1  }
0x93: {  	_ =	swait.eq [sflag:s15], $0x1  }
0x94: {  	[sflag:s15] =	ssyncset.done $0x0  }
0x95: {  	[sflag:s15] =	ssyncadd.s32 $0xFFFFFFFF  }
0x96: {  	s16 =	sld [smem:$0x11];
	(tm) =	ssettm $0x1  }
0x97: {  	s17 =	sld [smem:$0x3FFB];
	_ =	sdelay $0x3  }
0x98: {  	_ =	strace s17  }
0x99: {  	s3 =	sld [smem:$0x3FFC];
	_ =	sdelay $0x3  }
0x9a: {  	_ =	strace s3  }
0x9b: {  	s3 =	sld [smem:$0x3FFD];
	_ =	sdelay $0x3  }
0x9c: {  	_ =	strace s3  }
0x9d: {  	_ =	strace $0x8FFFFFFF  }
0x9e: {  	s18 =	sld [smem:$0x3FDB];
	_ =	sdelay $0x1  }
0x9f: {  	s19 =	simm.s32 $_scs_section_size  }
0xa0: {  	s5 =	simm.s32 $_size__tile_overlayer_lowered;
	s6 =	simm.s32 $_tile_overlayer_lowered  }
0xa1: {  	s22 =	simm.s32 $0x1BFF;
	s21 =	sshll.u32 s6, $0x1;
	s3 =	sadd.s32 s19, s18  }
0xa2: {  	s7 =	simm.s32 $0x0;
	s20 =	sshll.u32 s5, $0x1;
	s5 =	sadd.s32 s21, s3  }
0xa3: {  	[timem:s7], [sflag:s22] =	dma.local [hbm:s5], s20  }
0xa4: {  	_ =	swait.ge [sflag:s22], s20  }
0xa5: {  	s4 =	ssub.s32 $0x0, s20;
	[sflag:s22] =	ssyncset.done $0x0  }
0xa6: {  	[sflag:s22] =	ssyncadd.s32 s4;
	_ =	sdelay $0x1  }
0xa7: {  	s23 =	simm.s32 $0x1B8B  }
0xa8: {  	_ =	swait.ge [sflag:s23], $0x1  }
0xa9: {  	[sflag:s23] =	ssyncset.done $0x0  }
0xaa: {  	s25 =	simm.s32 $0x1B8E;
	s24 =	sld [smem:$0x3FFE];
	[sflag:s23] =	ssyncadd.s32 $0xFFFFFFFF  }
0xab: {  	s26 =	simm.s32 $execute0_lowered;
	[smem:$0x3FD2] =	sst s25  }
0xac: {  	s5 =	sshll.u32 s26, $0x1;
	_ =	strace $0x80000046;
	[dreg:$0x1] =	wrdreg $0xFFFFFFFF  }
0xad: {  	s28 =	simm.s32 $_size_execute0_lowered;
	s3 =	sadd.s32 s3, s5;
	[dreg:$0x0] =	wrdreg $0x0  }
0xae: {  	s5 =	sshll.u32 s28, $0x1;
	[dreg:$0x2] =	wrdreg s3  }
0xaf: {  	[dreg:$0x3] =	wrdreg s5  }
0xb0: {  	[dreg:$0x4] =	wrdreg $0xC0  }
0xb1: {  	_ =	task [dreg:s7], $0x5FFFF  }
0xb2: {  	[dreg:$0x1] =	wrdreg $0xFFFFFFFF  }
0xb3: {  	[dreg:$0x0] =	wrdreg $0x60  }
0xb4: {  	[dreg:$0x2] =	wrdreg s16  }
0xb5: {  	[dreg:$0x3] =	wrdreg s24  }
0xb6: {  	[dreg:$0x4] =	wrdreg $0x9  }
0xb7: {  	_ =	task.clear_ibuf [dreg:s7], $0x5FFFF;
	_ =	strace $0x90000046  }
0xb8: {  	s29 =	simm.s32 $0x9;
	_ =	strace $0x80000048  }
0xb9: {  	_ =	swait.ge [sflag:s29], $0x1  }
0xba: {  	[sflag:s29] =	ssyncadd.s32 $0xFFFFFFFF  }
0xbb: {  	_ =	strace $0x90000048  }
0xbc: {  	_ =	sfence  }
0xbd: {  	s30 =	sld [smem:$0x0];
	_ =	sdelay $0x2  }
0xbe: {  	s31 =	sshll.u32 s1, $0xD;
	s1 =	sshrl.u32 s1, $0x2  }
0xbf: {  	s3 =	sand.u32 $0x4000, s31;
	s1 =	sadd.s32 s1, s30  }
0xc0: {  	s0 =	sor.u32 s3, s0;
	s1 =	sshll.u32 s1, $0x11  }
0xc1: {  	s0 =	sor.u32 s1, s0  }
0xc2: {  	s0 =	sadd.s32 $0x8F2B, s0  }
0xc3: {  	[sflag:s0] =	ssyncadd.remote.s32 $0x1  }
0xc4: {  	_ =	sfence.sel $0xFFFF  }
0xc5: {  	[dreg:$0x0] =	wrdreg $0xFFFFFFFF;
	(pc) =	sbr.abs _section_cstart, $3  }
0xc6: {  	[dreg:$0x1] =	wrdreg $0xFFFFFFFF  }
0xc7: {  	_ =	task.clear_ibuf [dreg:s7], $0x2FFFF;
	_ =	strace $0x9FFFFFFF  }
0xc8: {  	(tm) =	ssettm $0x7FFFFFFF  }
0xc9: {  	_ =	shalt  }
tec
execute0_lowered:
.L_overlay_start_1:
0x0: {  	(tag) =	ssettag $0x1  }
0x1: {  	s4 =	rddreg [dreg:$0x0]  }
0x2: {  	s5 =	rddreg [dreg:$0x1]  }
0x3: {  	s0 =	rddreg [dreg:$0x2]  }
0x4: {  	s2 =	simm.s32 $0x0;
	s1 =	stileid.u32;
	s7 =	srdreg.scid  }
0x5: {  	s11 =	simm.s32 $0xA000;
	s12 =	simm.s32 $0xE000;
	s13 =	simm.s32 $0x1  }
0x6: {  	s14 =	simm.s32 $0x2;
	s15 =	simm.s32 $0x3;
	s16 =	simm.s32 $0x4  }
0x7: {  	s17 =	simm.s32 $0x5;
	s18 =	simm.s32 $0x6;
	s19 =	simm.s32 $0x7  }
0x8: {  	s20 =	simm.s32 $0x8;
	s21 =	simm.s32 $0x0;
	[smem:$0x7FF] =	sst s2  }
0x9: {  	s6 =	sshll.u32 s1, $0x12;
	s3 =	sadd.s32 $0x3400, s5;
	s31 =	sand.u32 $0x1, s7  }
0xa: {  	s8 =	sshll.u32 s1, $0xE;
	_ =	strace $0x80000047;
	s5 =	sadd.s32 s6, s5  }
0xb: {  	s7 =	ssub.s32 $0x2, s31;
	s9 =	sshll.u32 s31, $0xD;
	s6 =	sshll.u32 s31, $0x11  }
0xc: {  	s10 =	sshrl.u32 s7, $0x1;
	s8 =	sor.u32 s9, s8;
	s6 =	sadd.s32 s6, s5  }
0xd: {  	s9 =	simm.s32 $0x2000;
	s7 =	ssub.s32 s7, s10;
	s8 =	sshrl.u32 s8, $0x3  }
0xe: {  	s6 =	sadd.s32 $0x84400, s6;
	s10 =	simm.s32 $0x6000;
	s4 =	sadd.s32 s4, s8  }
0xf: {  	s5 =	smax.u32 s7, $0x1;
	s7 =	simm.s32 $0x9;
	s8 =	simm.s32 $0x80  }
.LBB2_1:
0x10: {  	[tilespmem:s2], [sflag:$0x9] =	stream.linear.gather [hbm4b:s4+s2], $0x2000, $0x38;
	[tilespmem:$0x12000] =	vst v63  }
0x11: {  	_ =	swait.ge [sflag:s7], $0x2000  }
0x12: {  	[sflag:s7] =	ssyncset.done $0x0  }
0x13: {  	s22 =	simm.s32 $0x0;
	[sflag:s7] =	ssyncadd.s32 $0xFFFFE000  }
0x14: {  	[tilespmem:s9], [sflag:$0x1] =	stream.indirect.gather [hbm4b:s3+s8], $0x80, s22, s8, $0xb8;
	[tilespmem:$0x12000] =	vst v63  }
0x15: {  	s26 =	simm.s32 $0x80  }
0x16: {  	[tilespmem:s10], [sflag:$0x2] =	stream.indirect.gather [hbm4b:s3+s8], $0x80, s26, s8, $0xb8;
	[tilespmem:$0x12000] =	vst v63  }
0x17: {  	s28 =	simm.s32 $0x100  }
0x18: {  	[tilespmem:s11], [sflag:$0x3] =	stream.indirect.gather [hbm4b:s3+s8], $0x80, s28, s8, $0xb8;
	[tilespmem:$0x12000] =	vst v63  }
0x19: {  	s29 =	simm.s32 $0x180  }
0x1a: {  	[tilespmem:s12], [sflag:$0x4] =	stream.indirect.gather [hbm4b:s3+s8], $0x80, s29, s8, $0xb8;
	[tilespmem:$0x12000] =	vst v63  }
0x1b: {  	_ =	swait.ge [sflag:s13], $0x4000  }
0x1c: {  	[sflag:s13] =	ssyncset.done $0x0  }
0x1d: {  	s30 =	sadd.s32 $0x0, s6;
	[sflag:s13] =	ssyncadd.s32 $0xFFFFC000  }
0x1e: {  	[hbm4b:s30+s2] =	stream.linear.scatter [tilespmem:s9], [sflag:$0x5], $0x4000, $0x38;
	[tilespmem:$0x12000] =	vst v63  }
0x1f: {  	_ =	swait.ge [sflag:s14], $0x4000  }
0x20: {  	[sflag:s14] =	ssyncset.done $0x0  }
0x21: {  	s23 =	sadd.s32 $0x800, s30;
	[sflag:s14] =	ssyncadd.s32 $0xFFFFC000  }
0x22: {  	[hbm4b:s23+s2] =	stream.linear.scatter [tilespmem:s10], [sflag:$0x6], $0x4000, $0x38;
	[tilespmem:$0x12000] =	vst v63  }
0x23: {  	_ =	swait.ge [sflag:s15], $0x4000  }
0x24: {  	[sflag:s15] =	ssyncset.done $0x0  }
0x25: {  	s31 =	sadd.s32 $0x1000, s30;
	[sflag:s15] =	ssyncadd.s32 $0xFFFFC000  }
0x26: {  	[hbm4b:s31+s2] =	stream.linear.scatter [tilespmem:s11], [sflag:$0x7], $0x4000, $0x38;
	[tilespmem:$0x12000] =	vst v63  }
0x27: {  	_ =	swait.ge [sflag:s16], $0x4000  }
0x28: {  	[sflag:s16] =	ssyncset.done $0x0  }
0x29: {  	s22 =	sadd.s32 $0x1800, s30;
	[sflag:s16] =	ssyncadd.s32 $0xFFFFC000  }
0x2a: {  	[hbm4b:s22+s2] =	stream.linear.scatter [tilespmem:s12], [sflag:$0x8], $0x4000, $0x38;
	[tilespmem:$0x12000] =	vst v63  }
0x2b: {  	_ =	swait.ge [sflag:s17], $0x4000  }
0x2c: {  	[sflag:s17] =	ssyncset.done $0x0  }
0x2d: {  	[sflag:s17] =	ssyncadd.s32 $0xFFFFC000  }
0x2e: {  	_ =	swait.ge [sflag:s18], $0x4000  }
0x2f: {  	[sflag:s18] =	ssyncset.done $0x0  }
0x30: {  	[sflag:s18] =	ssyncadd.s32 $0xFFFFC000  }
0x31: {  	_ =	swait.ge [sflag:s19], $0x4000  }
0x32: {  	[sflag:s19] =	ssyncset.done $0x0  }
0x33: {  	[sflag:s19] =	ssyncadd.s32 $0xFFFFC000  }
0x34: {  	s24 =	simm.s32 $0x4000;
	_ =	swait.ge [sflag:s20], $0x4000  }
0x35: {  	s23 =	simm.s32 $0x300;
	s22 =	simm.s32 $0x2000;
	[sflag:s20] =	ssyncset.done $0x0  }
.LBB2_2:
0x36: {  	p0 =	sne.s32 s24, $0x1E000;
	s25 =	sadd.s32 $0xFFFFFF00, s23;
	[sflag:s20] =	ssyncadd.s32 $0xFFFFC000  }
0x37: {  	[tilespmem:s9], [sflag:$0x1] =	stream.indirect.gather [hbm4b:s3+s8], $0x80, s25, s8, $0xb8;
	[tilespmem:$0x12000] =	vst v63  }
0x38: {  	s26 =	smov.u32 s24;
	s24 =	sadd.s32 $0x2000, s24;
	s25 =	sadd.s32 $0xFFFFFF80, s23  }
0x39: {  	[tilespmem:s10], [sflag:$0x2] =	stream.indirect.gather [hbm4b:s3+s8], $0x80, s25, s8, $0xb8;
	[tilespmem:$0x12000] =	vst v63  }
0x3a: {  	_ = 	snop  }
0x3b: {  	[tilespmem:s11], [sflag:$0x3] =	stream.indirect.gather [hbm4b:s3+s8], $0x80, s23, s8, $0xb8;
	[tilespmem:$0x12000] =	vst v63  }
0x3c: {  	s25 =	sadd.s32 $0x80, s23  }
0x3d: {  	[tilespmem:s12], [sflag:$0x4] =	stream.indirect.gather [hbm4b:s3+s8], $0x80, s25, s8, $0xb8;
	[tilespmem:$0x12000] =	vst v63  }
0x3e: {  	_ =	swait.ge [sflag:s13], $0x4000  }
0x3f: {  	[sflag:s13] =	ssyncset.done $0x0  }
0x40: {  	s25 =	sadd.s32 s22, s6;
	s22 =	smov.u32 s26;
	[sflag:s13] =	ssyncadd.s32 $0xFFFFC000  }
0x41: {  	[hbm4b:s25+s2] =	stream.linear.scatter [tilespmem:s9], [sflag:$0x5], $0x4000, $0x38;
	[tilespmem:$0x12000] =	vst v63  }
0x42: {  	_ =	swait.ge [sflag:s14], $0x4000  }
0x43: {  	[sflag:s14] =	ssyncset.done $0x0  }
0x44: {  	s26 =	sadd.s32 $0x800, s25;
	[sflag:s14] =	ssyncadd.s32 $0xFFFFC000  }
0x45: {  	[hbm4b:s26+s2] =	stream.linear.scatter [tilespmem:s10], [sflag:$0x6], $0x4000, $0x38;
	[tilespmem:$0x12000] =	vst v63  }
0x46: {  	_ =	swait.ge [sflag:s15], $0x4000  }
0x47: {  	[sflag:s15] =	ssyncset.done $0x0  }
0x48: {  	s26 =	sadd.s32 $0x1000, s25;
	[sflag:s15] =	ssyncadd.s32 $0xFFFFC000  }
0x49: {  	[hbm4b:s26+s2] =	stream.linear.scatter [tilespmem:s11], [sflag:$0x7], $0x4000, $0x38;
	[tilespmem:$0x12000] =	vst v63  }
0x4a: {  	_ =	swait.ge [sflag:s16], $0x4000  }
0x4b: {  	[sflag:s16] =	ssyncset.done $0x0  }
0x4c: {  	s25 =	sadd.s32 $0x1800, s25;
	[sflag:s16] =	ssyncadd.s32 $0xFFFFC000  }
0x4d: {  	[hbm4b:s25+s2] =	stream.linear.scatter [tilespmem:s12], [sflag:$0x8], $0x4000, $0x38;
	[tilespmem:$0x12000] =	vst v63  }
0x4e: {  	_ =	swait.ge [sflag:s17], $0x4000  }
0x4f: {  	[sflag:s17] =	ssyncset.done $0x0  }
0x50: {  	[sflag:s17] =	ssyncadd.s32 $0xFFFFC000  }
0x51: {  	_ =	swait.ge [sflag:s18], $0x4000  }
0x52: {  	[sflag:s18] =	ssyncset.done $0x0  }
0x53: {  	[sflag:s18] =	ssyncadd.s32 $0xFFFFC000  }
.Ltmp0:
0x54: {  	_ =	swait.ge [sflag:s19], $0x4000;
	(pc) =	sbr.rel @p0 .LBB2_2-.Ltmp0, $4  }
0x55: {  	[sflag:s19] =	ssyncset.done $0x0  }
0x56: {  	[sflag:s19] =	ssyncadd.s32 $0xFFFFC000  }
0x57: {  	_ =	swait.ge [sflag:s20], $0x4000  }
0x58: {  	s23 =	sadd.s32 $0x200, s23;
	[sflag:s20] =	ssyncset.done $0x0  }
0x59: {  	s24 =	sadd.s32 $0xFFFFFF00, s23;
	[sflag:s20] =	ssyncadd.s32 $0xFFFFC000  }
0x5a: {  	[tilespmem:s9], [sflag:$0x1] =	stream.indirect.gather [hbm4b:s3+s8], $0x80, s24, s8, $0xb8;
	[tilespmem:$0x12000] =	vst v63  }
0x5b: {  	s28 =	sadd.s32 $0xFFFFFF80, s23  }
0x5c: {  	[tilespmem:s10], [sflag:$0x2] =	stream.indirect.gather [hbm4b:s3+s8], $0x80, s28, s8, $0xb8;
	[tilespmem:$0x12000] =	vst v63  }
0x5d: {  	_ = 	snop  }
0x5e: {  	[tilespmem:s11], [sflag:$0x3] =	stream.indirect.gather [hbm4b:s3+s8], $0x80, s23, s8, $0xb8;
	[tilespmem:$0x12000] =	vst v63  }
0x5f: {  	s29 =	sadd.s32 $0x80, s23  }
0x60: {  	[tilespmem:s12], [sflag:$0x4] =	stream.indirect.gather [hbm4b:s3+s8], $0x80, s29, s8, $0xb8;
	[tilespmem:$0x12000] =	vst v63  }
0x61: {  	_ =	swait.ge [sflag:s13], $0x4000  }
0x62: {  	[sflag:s13] =	ssyncset.done $0x0  }
0x63: {  	s22 =	sadd.s32 s22, s6;
	[sflag:s13] =	ssyncadd.s32 $0xFFFFC000  }
0x64: {  	[hbm4b:s22+s2] =	stream.linear.scatter [tilespmem:s9], [sflag:$0x5], $0x4000, $0x38;
	[tilespmem:$0x12000] =	vst v63  }
0x65: {  	_ =	swait.ge [sflag:s14], $0x4000  }
0x66: {  	[sflag:s14] =	ssyncset.done $0x0  }
0x67: {  	s30 =	sadd.s32 $0x800, s22;
	[sflag:s14] =	ssyncadd.s32 $0xFFFFC000  }
0x68: {  	[hbm4b:s30+s2] =	stream.linear.scatter [tilespmem:s10], [sflag:$0x6], $0x4000, $0x38;
	[tilespmem:$0x12000] =	vst v63  }
0x69: {  	_ =	swait.ge [sflag:s15], $0x4000  }
0x6a: {  	[sflag:s15] =	ssyncset.done $0x0  }
0x6b: {  	s31 =	sadd.s32 $0x1000, s22;
	[sflag:s15] =	ssyncadd.s32 $0xFFFFC000  }
0x6c: {  	[hbm4b:s31+s2] =	stream.linear.scatter [tilespmem:s11], [sflag:$0x7], $0x4000, $0x38;
	[tilespmem:$0x12000] =	vst v63  }
0x6d: {  	_ =	swait.ge [sflag:s16], $0x4000  }
0x6e: {  	[sflag:s16] =	ssyncset.done $0x0  }
0x6f: {  	s22 =	sadd.s32 $0x1800, s22;
	[sflag:s16] =	ssyncadd.s32 $0xFFFFC000  }
0x70: {  	[hbm4b:s22+s2] =	stream.linear.scatter [tilespmem:s12], [sflag:$0x8], $0x4000, $0x38;
	[tilespmem:$0x12000] =	vst v63  }
0x71: {  	_ =	swait.ge [sflag:s17], $0x4000  }
0x72: {  	[sflag:s17] =	ssyncset.done $0x0  }
0x73: {  	[sflag:s17] =	ssyncadd.s32 $0xFFFFC000  }
0x74: {  	_ =	swait.ge [sflag:s18], $0x4000  }
0x75: {  	[sflag:s18] =	ssyncset.done $0x0  }
0x76: {  	s21 =	sadd.s32 $0x1, s21;
	[sflag:s18] =	ssyncadd.s32 $0xFFFFC000  }
0x77: {  	p0 =	sne.s32 s21, s5;
	_ =	swait.ge [sflag:s19], $0x4000  }
.Ltmp1:
0x78: {  	[sflag:s19] =	ssyncset.done $0x0;
	(pc) =	sbr.rel @p0 .LBB2_1-.Ltmp1, $4  }
0x79: {  	[sflag:s19] =	ssyncadd.s32 $0xFFFFC000  }
0x7a: {  	_ =	swait.ge [sflag:s20], $0x4000  }
0x7b: {  	[sflag:s20] =	ssyncset.done $0x0  }
0x7c: {  	[sflag:s20] =	ssyncadd.s32 $0xFFFFC000  }
0x7d: {  	_ =	sfence.sel $0x180000  }
0x7e: {  	[bflag:$0x0] =	sbarrier.arrive $0xFFFF  }
0x7f: {  	p0 =	sne.s32 s1, $0x0;
	_ =	strace $0x90000047  }
0x80: {  	s0 =	sadd.s32 @!p0 $0x100000, s0;
	[bflag:$0x2] =	sbarrier.arrive $0xFFFF  }
0x81: {  	[sflag:s0] =	ssyncadd.tile.s32 @!p0 $0x1;
	_ =	shalt  }
.Lfunc_end2:
_tile_overlayer_lowered:
.L_overlay_start_2:
0x82: {  	(tag) =	ssettag $0x2  }
0x83: {  	s0 =	rddreg [dreg:$0x0];
	s2 =	stileid.u32  }
0x84: {  	s1 =	rddreg [dreg:$0x1];
	p0 =	sne.s32 s2, $0x0  }
0x85: {  	s3 =	rddreg [dreg:$0x2];
	[bflag:$0x3] =	sbarrier.arrive $0xFFFF;
	s2 =	simm.s32 @!p0 $0x1C09  }
0x86: {  	[timem:s3], [sflag:s2] =	dma.local @!p0 [hbm:s0], s1  }
0x87: {  	s0 =	simm.s32 @!p0 $0x9  }
0x88: {  	_ =	swait.ge @!p0 [sflag:s0], s1  }
0x89: {  	s1 =	ssub.s32 @!p0 $0x0, s1;
	[sflag:s0] =	ssyncset.done @!p0 $0x0  }
0x8a: {  	[sflag:s0] =	ssyncadd.s32 @!p0 s1  }
0x8b: {  	[bflag:$0x3] =	sbarrier.arrive $0xFFFF  }
0x8c: {  	_ =	shalt  }

</sc_bundles>
